<compile_context>
chip_gen: v7x
topology: tpu7x:2x2x1
jax: 0.10.2.dev20260603
libtpu: 0.0.44.dev20260713+nightly
codegen_flags: <defaults>
</compile_context>

<pallas_src>
import functools

import jax
import jax.numpy as jnp
from jax import lax
from jax.experimental import pallas as pl
from jax.experimental.pallas import tpu as pltpu
from jax.experimental.pallas import tpu_sc as plsc

NC = 2
NS = 16
NW = NC * NS
K2 = 256
DW = 16
DG = 64
BN = 512


def _cdiv(a, b):
  return (a + b - 1) // b




def _sc_degree(np_, ch):
  mesh = plsc.VectorSubcoreMesh(core_axis_name="c", subcore_axis_name="s")
  rpt = np_ // NS

  @functools.partial(
      pl.kernel,
      out_type=jax.ShapeDtypeStruct((NC, np_, DW), jnp.float32),
      mesh=mesh,
      compiler_params=pltpu.CompilerParams(use_tc_tiling_on_sc=False),
      scratch_types=[
          pltpu.VMEM_SHARED((np_, DW), jnp.float32),
          pltpu.VMEM((K2, DW), jnp.float32),
          pltpu.VMEM((2, 2, K2), jnp.int32),
      ] + [pltpu.SemaphoreType.DMA] * 4,
  )
  def deg_kernel(sd_hbm, ones_hbm, zeros_hbm, out_hbm, acc, ones_v, idxv,
                 *sems):
    isems = sems[0:2]
    ssems = sems[2:4]
    c = lax.axis_index("c")
    s = lax.axis_index("s")
    wid = c * NS + s
    pltpu.sync_copy(zeros_hbm.at[pl.ds(s * rpt, rpt)],
                    acc.at[pl.ds(s * rpt, rpt)])
    pltpu.sync_copy(ones_hbm, ones_v)
    plsc.subcore_barrier()

    @pl.loop(0, ch // 2)
    def _(t):
      idd = [
          pltpu.async_copy(sd_hbm.at[wid, 2 * t + b], idxv.at[b], isems[b])
          for b in range(2)
      ]
      sd = []
      for b in range(2):
        idd[b].wait()
        sd.append(
            pltpu.async_copy(ones_v, acc.at[idxv.at[b, 1]], ssems[b],
                             add=True))
      for b in range(2):
        sd[b].wait()

    plsc.subcore_barrier()
    pltpu.sync_copy(acc.at[pl.ds(s * rpt, rpt)],
                    out_hbm.at[c, pl.ds(s * rpt, rpt)])

  return deg_kernel


def _sc_aggregate(np_, d, cha, chb, chmax, dtype):
  del chmax
  mesh = plsc.VectorSubcoreMesh(core_axis_name="c", subcore_axis_name="s")
  rpt = np_ // NS

  @functools.partial(
      pl.kernel,
      out_type=jax.ShapeDtypeStruct((NC, np_, d), dtype),
      mesh=mesh,
      compiler_params=pltpu.CompilerParams(use_tc_tiling_on_sc=False),
      scratch_types=[
          pltpu.VMEM_SHARED((np_, d), dtype),
          pltpu.VMEM((2, K2, d), dtype),
          pltpu.VMEM((2, 2, K2), jnp.int32),
      ] + [pltpu.SemaphoreType.DMA] * 6,
  )
  def agg_kernel(table_hbm, sd_hbm, zeros_hbm, out_hbm, acc, rows, idxv,
                 *sems):
    isems = sems[0:2]
    gsems = sems[2:4]
    ssems = sems[4:6]
    c = lax.axis_index("c")
    s = lax.axis_index("s")
    wid = c * NS + s
    nch = jnp.where(c == 0, cha, chb)
    pltpu.sync_copy(zeros_hbm.at[pl.ds(s * rpt, rpt)],
                    acc.at[pl.ds(s * rpt, rpt)])
    plsc.subcore_barrier()

    @pl.loop(0, nch // 2)
    def _(t):
      idd = [
          pltpu.async_copy(sd_hbm.at[wid, 2 * t + b], idxv.at[b], isems[b])
          for b in range(2)
      ]
      gd = []
      for b in range(2):
        idd[b].wait()
        gd.append(
            pltpu.async_copy(table_hbm.at[idxv.at[b, 0]], rows.at[b],
                             gsems[b]))
      sd = []
      for b in range(2):
        gd[b].wait()
        sd.append(
            pltpu.async_copy(rows.at[b], acc.at[idxv.at[b, 1]], ssems[b],
                             add=True))
      for b in range(2):
        sd[b].wait()

    plsc.subcore_barrier()
    pltpu.sync_copy(acc.at[pl.ds(s * rpt, rpt)],
                    out_hbm.at[c, pl.ds(s * rpt, rpt)])

  return agg_kernel




def _tc_scale_body(x_ref, t0_ref, t1_ref, xs_ref, dinv_ref):
  deg = 1.0 + t0_ref[:, 0:1] + t1_ref[:, 0:1]
  dinv = lax.rsqrt(deg)
  xs_ref[...] = (x_ref[...] * dinv).astype(xs_ref.dtype)
  dinv_ref[...] = dinv


def _tc_dense_body(p0_ref, p1_ref, xs_ref, dinv_ref, w1_ref, b1_ref, w2_ref,
                   ys_ref):
  d = dinv_ref[...]
  agg = (p0_ref[...].astype(jnp.float32) + p1_ref[...].astype(jnp.float32) +
         xs_ref[...].astype(jnp.float32))
  z = d * agg
  h = jnp.dot(z, w1_ref[...], preferred_element_type=jnp.float32)
  h = jnp.maximum(h + b1_ref[...], 0.0)
  y = jnp.dot(h, w2_ref[...], preferred_element_type=jnp.float32)
  ys_ref[...] = (d * y).astype(ys_ref.dtype)


def _tc_softmax_body(c_valid, q0_ref, q1_ref, ys_ref, dinv_ref, b2_ref, o_ref):
  agg = (q0_ref[...].astype(jnp.float32) + q1_ref[...].astype(jnp.float32) +
         ys_ref[...].astype(jnp.float32))
  u = dinv_ref[...] * agg + b2_ref[...]
  col = lax.broadcasted_iota(jnp.int32, u.shape, 1)
  valid = col < c_valid
  um = jnp.where(valid, u, -jnp.inf)
  mx = jnp.max(um, axis=1, keepdims=True)
  ex = jnp.where(valid, jnp.exp(u - mx), 0.0)
  o_ref[...] = (u - mx) - jnp.log(jnp.sum(ex, axis=1, keepdims=True))


def _row_spec(d):
  return pl.BlockSpec((BN, d), lambda i: (i, 0))


def _full_spec(r, c):
  return pl.BlockSpec((r, c), lambda i: (0, 0))




def kernel(x, edge_index, W1, b1, W2, b2):
  n, f_in = x.shape
  hid = W1.shape[1]
  c_out = W2.shape[1]
  e = edge_index.shape[1]

  np_ = _cdiv(n, NS * BN) * NS * BN
  ch = _cdiv(_cdiv(e, NW * K2), 2) * 2
  ep = NW * ch * K2
  d2 = _cdiv(c_out, 64) * 64

  src = edge_index[0].astype(jnp.int32)
  dst = edge_index[1].astype(jnp.int32)
  pad = ep - e
  src_f = jnp.concatenate([src, jnp.zeros((pad,), jnp.int32)])
  dst_f = jnp.concatenate([dst, jnp.full((pad,), n, jnp.int32)])
  sd_p = jnp.stack(
      [src_f.reshape(NW, ch, K2), dst_f.reshape(NW, ch, K2)], axis=2)

  cha = max(2, (_cdiv(2 * ch, 4) // 2) * 2 - 2)
  chb = 2 * ch - cha
  chmax = max(cha, chb)
  ea = NS * cha * K2
  sd0 = jnp.stack([src_f[:ea].reshape(NS, cha, K2),
                   dst_f[:ea].reshape(NS, cha, K2)], axis=2)
  sd0 = jnp.pad(sd0, ((0, 0), (0, chmax - cha), (0, 0), (0, 0)))
  sd1 = jnp.stack([src_f[ea:].reshape(NS, chb, K2),
                   dst_f[ea:].reshape(NS, chb, K2)], axis=2)
  sd1 = jnp.pad(sd1, ((0, 0), (0, chmax - chb), (0, 0), (0, 0)))
  sd_q = jnp.concatenate([sd0, sd1], axis=0)

  x_p = jnp.zeros((np_, f_in), jnp.float32).at[:n].set(x)
  ones_rows = jnp.zeros((K2, DW), jnp.float32).at[:, 0].set(1.0)
  zeros_deg = jnp.zeros((np_, DW), jnp.float32)
  zeros_g = jnp.zeros((np_, f_in), jnp.bfloat16)
  zeros_c = jnp.zeros((np_, d2), jnp.bfloat16)
  w2_p = jnp.zeros((hid, d2), jnp.float32).at[:, :c_out].set(W2)
  b1_r = b1.reshape(1, hid)
  b2_p = jnp.zeros((1, d2), jnp.float32).at[0, :c_out].set(b2)

  deg_t = _sc_degree(np_, ch)(sd_p, ones_rows, zeros_deg)

  grid = (np_ // BN,)
  xs, dinv = pl.pallas_call(
      _tc_scale_body,
      grid=grid,
      in_specs=[_row_spec(f_in), _row_spec(DW), _row_spec(DW)],
      out_specs=[_row_spec(f_in), _row_spec(1)],
      out_shape=[
          jax.ShapeDtypeStruct((np_, f_in), jnp.bfloat16),
          jax.ShapeDtypeStruct((np_, 1), jnp.float32),
      ],
  )(x_p, deg_t[0], deg_t[1])

  p_t = _sc_aggregate(np_, f_in, cha, chb, chmax, jnp.bfloat16)(
      xs, sd_q, zeros_g)

  ys = pl.pallas_call(
      _tc_dense_body,
      grid=grid,
      in_specs=[
          _row_spec(f_in), _row_spec(f_in), _row_spec(f_in), _row_spec(1),
          _full_spec(f_in, hid), _full_spec(1, hid), _full_spec(hid, d2),
      ],
      out_specs=_row_spec(d2),
      out_shape=jax.ShapeDtypeStruct((np_, d2), jnp.bfloat16),
  )(p_t[0], p_t[1], xs, dinv, W1, b1_r, w2_p)

  q_t = _sc_aggregate(np_, d2, cha, chb, chmax, jnp.bfloat16)(
      ys, sd_q, zeros_c)

  o = pl.pallas_call(
      functools.partial(_tc_softmax_body, c_out),
      grid=grid,
      in_specs=[
          _row_spec(d2), _row_spec(d2), _row_spec(d2), _row_spec(1),
          _full_spec(1, d2),
      ],
      out_specs=_row_spec(d2),
      out_shape=jax.ShapeDtypeStruct((np_, d2), jnp.float32),
  )(q_t[0], q_t[1], ys, dinv, b2_p)

  return o[:n, :c_out]

# --- scband reference (transcript-rebuilt; emitter-appended) ---
"""Pipeline reference for scband-gnn-82351702933810 (READ-ONLY COPY).

The authoritative reference and input builder live on the scoring server;
editing this copy changes nothing except your own understanding.
"""

import jax, jax.numpy as jnp
import numpy as np

N = 10000
E = 320000
F_IN = 128
HID = 384
C = 40


def setup_inputs(seed: int = 0):
    key = jax.random.key(seed)
    k1, k2, k3, k4, k5, k6 = jax.random.split(key, 6)
    x = jax.random.normal(k1, (N, F_IN), dtype=jnp.float32)
    edge_index = jax.random.randint(k2, (2, E), 0, N)
    W1 = jax.random.normal(k3, (F_IN, HID), dtype=jnp.float32) * (1.0 / np.sqrt(F_IN))
    b1 = jnp.zeros((HID,), dtype=jnp.float32)
    W2 = jax.random.normal(k4, (HID, C), dtype=jnp.float32) * (1.0 / np.sqrt(HID))
    b2 = jnp.zeros((C,), dtype=jnp.float32)
    return {"x": x, "edge_index": edge_index, "W1": W1, "b1": b1, "W2": W2, "b2": b2}


def gcn_conv(x, edge_index, W, b):
    # PyG GCNConv: add self-loops, symmetric normalization D^-1/2 (A+I) D^-1/2 X W + b
    src = edge_index[0]
    dst = edge_index[1]
    loop = jnp.arange(N, dtype=src.dtype)
    src = jnp.concatenate([src, loop])
    dst = jnp.concatenate([dst, loop])
    deg = jnp.zeros((N,), dtype=x.dtype).at[dst].add(1.0)
    deg_inv_sqrt = jnp.where(deg > 0, jax.lax.rsqrt(jnp.maximum(deg, 1e-12)), 0.0)
    norm = deg_inv_sqrt[src] * deg_inv_sqrt[dst]
    xw = x @ W
    msg = jnp.take(xw, src, axis=0) * norm[:, None]
    out = jnp.zeros((N, W.shape[1]), dtype=x.dtype).at[dst].add(msg)
    return out + b


def reference(x, edge_index, W1, b1, W2, b2):
    h = jax.nn.relu(gcn_conv(x, edge_index, W1, b1))
    # dropout: F.dropout(x, training=self.training) -> identity in eval mode
    out = gcn_conv(h, edge_index, W2, b2)
    return jax.nn.log_softmax(out, axis=1)

if __name__ == "__main__":
    import jax
    _d = setup_inputs()
    print(jax.jit(kernel)(*tuple(_d.values())))

</pallas_src>

<mosaic_0001>
#map = affine_map<(d0, d1) -> (0, 0, 0, 0)>
#map1 = affine_map<(d0, d1) -> (0, 0)>
#map2 = affine_map<(d0, d1) -> (0, 0, 0)>
module attributes {stable_mosaic.version = 14 : i64} {
  func.func @deg_kernel(%arg0: i32, %arg1: i32, %arg2: memref<32x40x2x256xi32, #tpu.memory_space<hbm>>, %arg3: memref<256x16xf32, #tpu.memory_space<hbm>>, %arg4: memref<16384x16xf32, #tpu.memory_space<hbm>>, %arg5: memref<2x16384x16xf32, #tpu.memory_space<hbm>>, %arg6: memref<16384x16xf32, #tpu.memory_space<vmem_shared>>, %arg7: memref<256x16xf32, #tpu.memory_space<vmem>>, %arg8: memref<2x2x256xi32, #tpu.memory_space<vmem>>, %arg9: memref<!tpu.dma_semaphore, #tpu.memory_space<semaphore_mem>>, %arg10: memref<!tpu.dma_semaphore, #tpu.memory_space<semaphore_mem>>, %arg11: memref<!tpu.dma_semaphore, #tpu.memory_space<semaphore_mem>>, %arg12: memref<!tpu.dma_semaphore, #tpu.memory_space<semaphore_mem>>) attributes {dimension_semantics = [#tpu.dimension_semantics<core_parallel>, #tpu.dimension_semantics<subcore_parallel>], iteration_bounds = array<i64: 2, 16>, scalar_prefetch = 0 : i64, scratch_operands = 7 : i64, tpu.core_type = #tpu.core_type<sc_vector_subcore>, window_params = [{transform_indices = #map}, {transform_indices = #map1}, {transform_indices = #map1}, {transform_indices = #map2}]} {
    %mul3A = arith.constant 16 : i32
    %mul3A_0 = arith.muli %arg0, %mul3A : i32
    %add3A = arith.addi %mul3A_0, %arg1 : i32
    %mul3A_1 = arith.constant 1024 : i32
    %mul3A_2 = arith.muli %arg1, %mul3A_1 : i32
    %mul3A_3 = arith.constant 1024 : i32
    %mul3A_4 = arith.muli %arg1, %mul3A_3 : i32
    "tpu.region"() ({
      %run_scoped3A = tpu.sem_alloc : memref<!tpu.dma_semaphore, #tpu.memory_space<semaphore_mem>>
      %dma_start3A = arith.constant 0 : i32
      %dma_start3A_14 = tpu.memref_slice %arg6[%mul3A_4, %dma_start3A] : memref<16384x16xf32, #tpu.memory_space<vmem_shared>> -> memref<1024x16xf32, #tpu.memory_space<vmem_shared>>
      %dma_start3A_15 = arith.constant 0 : i32
      %dma_start3A_16 = tpu.memref_slice %arg4[%mul3A_2, %dma_start3A_15] : memref<16384x16xf32, #tpu.memory_space<hbm>> -> memref<1024x16xf32, #tpu.memory_space<hbm>>
      tpu.enqueue_dma source(%dma_start3A_16 : memref<1024x16xf32, #tpu.memory_space<hbm>>) target(%dma_start3A_14 : memref<1024x16xf32, #tpu.memory_space<vmem_shared>>) target_semaphore(%run_scoped3A : memref<!tpu.dma_semaphore, #tpu.memory_space<semaphore_mem>>)
      %dma_wait3A = arith.constant 0 : i32
      %dma_wait3A_17 = tpu.memref_slice %arg6[%mul3A_4, %dma_wait3A] : memref<16384x16xf32, #tpu.memory_space<vmem_shared>> -> memref<1024x16xf32, #tpu.memory_space<vmem_shared>>
      %dma_wait3A_18 = arith.constant 0 : i32
      %dma_wait3A_19 = tpu.memref_slice %arg4[%mul3A_2, %dma_wait3A_18] : memref<16384x16xf32, #tpu.memory_space<hbm>> -> memref<1024x16xf32, #tpu.memory_space<hbm>>
      tpu.wait_dma2 semaphore(%run_scoped3A : memref<!tpu.dma_semaphore, #tpu.memory_space<semaphore_mem>>) src(%dma_wait3A_19 : memref<1024x16xf32, #tpu.memory_space<hbm>>) dst(%dma_wait3A_17 : memref<1024x16xf32, #tpu.memory_space<vmem_shared>>)
      tpu.yield
    }) : () -> ()
    "tpu.region"() ({
      %run_scoped3A = tpu.sem_alloc : memref<!tpu.dma_semaphore, #tpu.memory_space<semaphore_mem>>
      tpu.enqueue_dma source(%arg3 : memref<256x16xf32, #tpu.memory_space<hbm>>) target(%arg7 : memref<256x16xf32, #tpu.memory_space<vmem>>) target_semaphore(%run_scoped3A : memref<!tpu.dma_semaphore, #tpu.memory_space<semaphore_mem>>)
      tpu.wait_dma2 semaphore(%run_scoped3A : memref<!tpu.dma_semaphore, #tpu.memory_space<semaphore_mem>>) src(%arg3 : memref<256x16xf32, #tpu.memory_space<hbm>>) dst(%arg7 : memref<256x16xf32, #tpu.memory_space<vmem>>)
      tpu.yield
    }) : () -> ()
    %barrier3A = arith.constant 0 : index
    tpu.barrier barrier_id(%barrier3A)
    %scan3A = arith.constant 0 : i32
    %scan3A_5 = arith.constant 20 : i32
    %scan3A_6 = arith.addi %scan3A, %scan3A_5 : i32
    %scan3A_7 = arith.constant 1 : i32
    scf.for %scan3A_14 = %scan3A to %scan3A_6 step %scan3A_7  : i32 {
      %mul3A_15 = arith.constant 1 : i32
      %mul3A_16 = arith.muli %scan3A_14, %mul3A_15 : i32
      %add3A_17 = arith.constant 0 : i32
      %add3A_18 = arith.addi %add3A_17, %mul3A_16 : i32
      %mul3A_19 = arith.constant 2 : i32
      %mul3A_20 = arith.muli %mul3A_19, %add3A_18 : i32
      %add3A_21 = arith.constant 0 : i32
      %add3A_22 = arith.addi %mul3A_20, %add3A_21 : i32
      %dma_start3A = arith.constant 0 : i32
      %dma_start3A_23 = arith.constant 0 : i32
      %dma_start3A_24 = arith.constant 0 : i32
      %dma_start3A_25 = tpu.memref_slice %arg8[%dma_start3A, %dma_start3A_23, %dma_start3A_24] : memref<2x2x256xi32, #tpu.memory_space<vmem>> -> memref<1x2x256xi32, #tpu.memory_space<vmem>>
      %dma_start3A_26 = tpu.memref_squeeze %dma_start3A_25 : memref<1x2x256xi32, #tpu.memory_space<vmem>> -> memref<2x256xi32, #tpu.memory_space<vmem>>
      %dma_start3A_27 = arith.constant 0 : i32
      %dma_start3A_28 = arith.constant 0 : i32
      %dma_start3A_29 = tpu.memref_slice %arg2[%add3A, %add3A_22, %dma_start3A_27, %dma_start3A_28] : memref<32x40x2x256xi32, #tpu.memory_space<hbm>> -> memref<1x1x2x256xi32, #tpu.memory_space<hbm>>
      %dma_start3A_30 = tpu.memref_squeeze %dma_start3A_29 : memref<1x1x2x256xi32, #tpu.memory_space<hbm>> -> memref<2x256xi32, #tpu.memory_space<hbm>>
      %dma_start3A_31 = arith.constant 0 : i32
      %dma_start3A_32 = arith.constant 0 : i32
      %dma_start3A_33 = tpu.memref_slice %arg8[%dma_start3A, %dma_start3A_31, %dma_start3A_32] : memref<2x2x256xi32, #tpu.memory_space<vmem>> -> memref<1x2x256xi32, #tpu.memory_space<vmem>>
      %dma_start3A_34 = tpu.memref_squeeze %dma_start3A_33 : memref<1x2x256xi32, #tpu.memory_space<vmem>> -> memref<2x256xi32, #tpu.memory_space<vmem>>
      %dma_start3A_35 = arith.constant 0 : i32
      %dma_start3A_36 = arith.constant 0 : i32
      %dma_start3A_37 = tpu.memref_slice %arg2[%add3A, %add3A_22, %dma_start3A_35, %dma_start3A_36] : memref<32x40x2x256xi32, #tpu.memory_space<hbm>> -> memref<1x1x2x256xi32, #tpu.memory_space<hbm>>
      %dma_start3A_38 = tpu.memref_squeeze %dma_start3A_37 : memref<1x1x2x256xi32, #tpu.memory_space<hbm>> -> memref<2x256xi32, #tpu.memory_space<hbm>>
      tpu.enqueue_dma source(%dma_start3A_38 : memref<2x256xi32, #tpu.memory_space<hbm>>) target(%dma_start3A_34 : memref<2x256xi32, #tpu.memory_space<vmem>>) target_semaphore(%arg9 : memref<!tpu.dma_semaphore, #tpu.memory_space<semaphore_mem>>)
      %mul3A_39 = arith.constant 2 : i32
      %mul3A_40 = arith.muli %mul3A_39, %add3A_18 : i32
      %add3A_41 = arith.constant 1 : i32
      %add3A_42 = arith.addi %mul3A_40, %add3A_41 : i32
      %dma_start3A_43 = arith.constant 1 : i32
      %dma_start3A_44 = arith.constant 0 : i32
      %dma_start3A_45 = arith.constant 0 : i32
      %dma_start3A_46 = tpu.memref_slice %arg8[%dma_start3A_43, %dma_start3A_44, %dma_start3A_45] : memref<2x2x256xi32, #tpu.memory_space<vmem>> -> memref<1x2x256xi32, #tpu.memory_space<vmem>>
      %dma_start3A_47 = tpu.memref_squeeze %dma_start3A_46 : memref<1x2x256xi32, #tpu.memory_space<vmem>> -> memref<2x256xi32, #tpu.memory_space<vmem>>
      %dma_start3A_48 = arith.constant 0 : i32
      %dma_start3A_49 = arith.constant 0 : i32
      %dma_start3A_50 = tpu.memref_slice %arg2[%add3A, %add3A_42, %dma_start3A_48, %dma_start3A_49] : memref<32x40x2x256xi32, #tpu.memory_space<hbm>> -> memref<1x1x2x256xi32, #tpu.memory_space<hbm>>
      %dma_start3A_51 = tpu.memref_squeeze %dma_start3A_50 : memref<1x1x2x256xi32, #tpu.memory_space<hbm>> -> memref<2x256xi32, #tpu.memory_space<hbm>>
      %dma_start3A_52 = arith.constant 0 : i32
      %dma_start3A_53 = arith.constant 0 : i32
      %dma_start3A_54 = tpu.memref_slice %arg8[%dma_start3A_43, %dma_start3A_52, %dma_start3A_53] : memref<2x2x256xi32, #tpu.memory_space<vmem>> -> memref<1x2x256xi32, #tpu.memory_space<vmem>>
      %dma_start3A_55 = tpu.memref_squeeze %dma_start3A_54 : memref<1x2x256xi32, #tpu.memory_space<vmem>> -> memref<2x256xi32, #tpu.memory_space<vmem>>
      %dma_start3A_56 = arith.constant 0 : i32
      %dma_start3A_57 = arith.constant 0 : i32
      %dma_start3A_58 = tpu.memref_slice %arg2[%add3A, %add3A_42, %dma_start3A_56, %dma_start3A_57] : memref<32x40x2x256xi32, #tpu.memory_space<hbm>> -> memref<1x1x2x256xi32, #tpu.memory_space<hbm>>
      %dma_start3A_59 = tpu.memref_squeeze %dma_start3A_58 : memref<1x1x2x256xi32, #tpu.memory_space<hbm>> -> memref<2x256xi32, #tpu.memory_space<hbm>>
      tpu.enqueue_dma source(%dma_start3A_59 : memref<2x256xi32, #tpu.memory_space<hbm>>) target(%dma_start3A_55 : memref<2x256xi32, #tpu.memory_space<vmem>>) target_semaphore(%arg10 : memref<!tpu.dma_semaphore, #tpu.memory_space<semaphore_mem>>)
      %dma_wait3A = arith.constant 0 : i32
      %dma_wait3A_60 = arith.constant 0 : i32
      %dma_wait3A_61 = arith.constant 0 : i32
      %dma_wait3A_62 = tpu.memref_slice %arg8[%dma_wait3A, %dma_wait3A_60, %dma_wait3A_61] : memref<2x2x256xi32, #tpu.memory_space<vmem>> -> memref<1x2x256xi32, #tpu.memory_space<vmem>>
      %dma_wait3A_63 = tpu.memref_squeeze %dma_wait3A_62 : memref<1x2x256xi32, #tpu.memory_space<vmem>> -> memref<2x256xi32, #tpu.memory_space<vmem>>
      %dma_wait3A_64 = arith.constant 0 : i32
      %dma_wait3A_65 = arith.constant 0 : i32
      %dma_wait3A_66 = tpu.memref_slice %arg2[%add3A, %add3A_22, %dma_wait3A_64, %dma_wait3A_65] : memref<32x40x2x256xi32, #tpu.memory_space<hbm>> -> memref<1x1x2x256xi32, #tpu.memory_space<hbm>>
      %dma_wait3A_67 = tpu.memref_squeeze %dma_wait3A_66 : memref<1x1x2x256xi32, #tpu.memory_space<hbm>> -> memref<2x256xi32, #tpu.memory_space<hbm>>
      %dma_wait3A_68 = arith.constant 0 : i32
      %dma_wait3A_69 = arith.constant 0 : i32
      %dma_wait3A_70 = tpu.memref_slice %arg8[%dma_wait3A, %dma_wait3A_68, %dma_wait3A_69] : memref<2x2x256xi32, #tpu.memory_space<vmem>> -> memref<1x2x256xi32, #tpu.memory_space<vmem>>
      %dma_wait3A_71 = tpu.memref_squeeze %dma_wait3A_70 : memref<1x2x256xi32, #tpu.memory_space<vmem>> -> memref<2x256xi32, #tpu.memory_space<vmem>>
      %dma_wait3A_72 = arith.constant 0 : i32
      %dma_wait3A_73 = arith.constant 0 : i32
      %dma_wait3A_74 = tpu.memref_slice %arg2[%add3A, %add3A_22, %dma_wait3A_72, %dma_wait3A_73] : memref<32x40x2x256xi32, #tpu.memory_space<hbm>> -> memref<1x1x2x256xi32, #tpu.memory_space<hbm>>
      %dma_wait3A_75 = tpu.memref_squeeze %dma_wait3A_74 : memref<1x1x2x256xi32, #tpu.memory_space<hbm>> -> memref<2x256xi32, #tpu.memory_space<hbm>>
      tpu.wait_dma2 semaphore(%arg9 : memref<!tpu.dma_semaphore, #tpu.memory_space<semaphore_mem>>) src(%dma_wait3A_75 : memref<2x256xi32, #tpu.memory_space<hbm>>) dst(%dma_wait3A_71 : memref<2x256xi32, #tpu.memory_space<vmem>>)
      %dma_start3A_76 = arith.constant 0 : i32
      %dma_start3A_77 = arith.constant 1 : i32
      %dma_start3A_78 = arith.constant 0 : i32
      %dma_start3A_79 = tpu.memref_slice %arg8[%dma_start3A_76, %dma_start3A_77, %dma_start3A_78] : memref<2x2x256xi32, #tpu.memory_space<vmem>> -> memref<1x1x256xi32, #tpu.memory_space<vmem>>
      %dma_start3A_80 = tpu.memref_squeeze %dma_start3A_79 : memref<1x1x256xi32, #tpu.memory_space<vmem>> -> memref<256xi32, #tpu.memory_space<vmem>>
      %dma_start3A_81 = arith.constant 0 : i32
      %dma_start3A_82 = arith.constant 0 : i32
      %dma_start3A_83 = tpu.memref_slice %arg6[%dma_start3A_81, %dma_start3A_82] : memref<16384x16xf32, #tpu.memory_space<vmem_shared>> -> memref<16384x16xf32, #tpu.memory_space<vmem_shared>>
      tpu.enqueue_indirect_dma source(%arg7 : memref<256x16xf32, #tpu.memory_space<vmem>>) target(%dma_start3A_83 : memref<16384x16xf32, #tpu.memory_space<vmem_shared>>) offsets(%dma_start3A_80 : memref<256xi32, #tpu.memory_space<vmem>>) semaphore(%arg11 : memref<!tpu.dma_semaphore, #tpu.memory_space<semaphore_mem>>) {add = true}
      %dma_wait3A_84 = arith.constant 1 : i32
      %dma_wait3A_85 = arith.constant 0 : i32
      %dma_wait3A_86 = arith.constant 0 : i32
      %dma_wait3A_87 = tpu.memref_slice %arg8[%dma_wait3A_84, %dma_wait3A_85, %dma_wait3A_86] : memref<2x2x256xi32, #tpu.memory_space<vmem>> -> memref<1x2x256xi32, #tpu.memory_space<vmem>>
      %dma_wait3A_88 = tpu.memref_squeeze %dma_wait3A_87 : memref<1x2x256xi32, #tpu.memory_space<vmem>> -> memref<2x256xi32, #tpu.memory_space<vmem>>
      %dma_wait3A_89 = arith.constant 0 : i32
      %dma_wait3A_90 = arith.constant 0 : i32
      %dma_wait3A_91 = tpu.memref_slice %arg2[%add3A, %add3A_42, %dma_wait3A_89, %dma_wait3A_90] : memref<32x40x2x256xi32, #tpu.memory_space<hbm>> -> memref<1x1x2x256xi32, #tpu.memory_space<hbm>>
      %dma_wait3A_92 = tpu.memref_squeeze %dma_wait3A_91 : memref<1x1x2x256xi32, #tpu.memory_space<hbm>> -> memref<2x256xi32, #tpu.memory_space<hbm>>
      %dma_wait3A_93 = arith.constant 0 : i32
      %dma_wait3A_94 = arith.constant 0 : i32
      %dma_wait3A_95 = tpu.memref_slice %arg8[%dma_wait3A_84, %dma_wait3A_93, %dma_wait3A_94] : memref<2x2x256xi32, #tpu.memory_space<vmem>> -> memref<1x2x256xi32, #tpu.memory_space<vmem>>
      %dma_wait3A_96 = tpu.memref_squeeze %dma_wait3A_95 : memref<1x2x256xi32, #tpu.memory_space<vmem>> -> memref<2x256xi32, #tpu.memory_space<vmem>>
      %dma_wait3A_97 = arith.constant 0 : i32
      %dma_wait3A_98 = arith.constant 0 : i32
      %dma_wait3A_99 = tpu.memref_slice %arg2[%add3A, %add3A_42, %dma_wait3A_97, %dma_wait3A_98] : memref<32x40x2x256xi32, #tpu.memory_space<hbm>> -> memref<1x1x2x256xi32, #tpu.memory_space<hbm>>
      %dma_wait3A_100 = tpu.memref_squeeze %dma_wait3A_99 : memref<1x1x2x256xi32, #tpu.memory_space<hbm>> -> memref<2x256xi32, #tpu.memory_space<hbm>>
      tpu.wait_dma2 semaphore(%arg10 : memref<!tpu.dma_semaphore, #tpu.memory_space<semaphore_mem>>) src(%dma_wait3A_100 : memref<2x256xi32, #tpu.memory_space<hbm>>) dst(%dma_wait3A_96 : memref<2x256xi32, #tpu.memory_space<vmem>>)
      %dma_start3A_101 = arith.constant 1 : i32
      %dma_start3A_102 = arith.constant 1 : i32
      %dma_start3A_103 = arith.constant 0 : i32
      %dma_start3A_104 = tpu.memref_slice %arg8[%dma_start3A_101, %dma_start3A_102, %dma_start3A_103] : memref<2x2x256xi32, #tpu.memory_space<vmem>> -> memref<1x1x256xi32, #tpu.memory_space<vmem>>
      %dma_start3A_105 = tpu.memref_squeeze %dma_start3A_104 : memref<1x1x256xi32, #tpu.memory_space<vmem>> -> memref<256xi32, #tpu.memory_space<vmem>>
      %dma_start3A_106 = arith.constant 0 : i32
      %dma_start3A_107 = arith.constant 0 : i32
      %dma_start3A_108 = tpu.memref_slice %arg6[%dma_start3A_106, %dma_start3A_107] : memref<16384x16xf32, #tpu.memory_space<vmem_shared>> -> memref<16384x16xf32, #tpu.memory_space<vmem_shared>>
      tpu.enqueue_indirect_dma source(%arg7 : memref<256x16xf32, #tpu.memory_space<vmem>>) target(%dma_start3A_108 : memref<16384x16xf32, #tpu.memory_space<vmem_shared>>) offsets(%dma_start3A_105 : memref<256xi32, #tpu.memory_space<vmem>>) semaphore(%arg12 : memref<!tpu.dma_semaphore, #tpu.memory_space<semaphore_mem>>) {add = true}
      %dma_wait3A_109 = arith.constant 0 : i32
      %dma_wait3A_110 = arith.constant 1 : i32
      %dma_wait3A_111 = arith.constant 0 : i32
      %dma_wait3A_112 = tpu.memref_slice %arg8[%dma_wait3A_109, %dma_wait3A_110, %dma_wait3A_111] : memref<2x2x256xi32, #tpu.memory_space<vmem>> -> memref<1x1x256xi32, #tpu.memory_space<vmem>>
      %dma_wait3A_113 = tpu.memref_squeeze %dma_wait3A_112 : memref<1x1x256xi32, #tpu.memory_space<vmem>> -> memref<256xi32, #tpu.memory_space<vmem>>
      %dma_wait3A_114 = arith.constant 0 : i32
      %dma_wait3A_115 = arith.constant 0 : i32
      %dma_wait3A_116 = tpu.memref_slice %arg6[%dma_wait3A_114, %dma_wait3A_115] : memref<16384x16xf32, #tpu.memory_space<vmem_shared>> -> memref<16384x16xf32, #tpu.memory_space<vmem_shared>>
      tpu.wait_indirect_dma semaphore(%arg11 : memref<!tpu.dma_semaphore, #tpu.memory_space<semaphore_mem>>) src(%arg7 : memref<256x16xf32, #tpu.memory_space<vmem>>) dst(%dma_wait3A_116 : memref<16384x16xf32, #tpu.memory_space<vmem_shared>>)
      %dma_wait3A_117 = arith.constant 1 : i32
      %dma_wait3A_118 = arith.constant 1 : i32
      %dma_wait3A_119 = arith.constant 0 : i32
      %dma_wait3A_120 = tpu.memref_slice %arg8[%dma_wait3A_117, %dma_wait3A_118, %dma_wait3A_119] : memref<2x2x256xi32, #tpu.memory_space<vmem>> -> memref<1x1x256xi32, #tpu.memory_space<vmem>>
      %dma_wait3A_121 = tpu.memref_squeeze %dma_wait3A_120 : memref<1x1x256xi32, #tpu.memory_space<vmem>> -> memref<256xi32, #tpu.memory_space<vmem>>
      %dma_wait3A_122 = arith.constant 0 : i32
      %dma_wait3A_123 = arith.constant 0 : i32
      %dma_wait3A_124 = tpu.memref_slice %arg6[%dma_wait3A_122, %dma_wait3A_123] : memref<16384x16xf32, #tpu.memory_space<vmem_shared>> -> memref<16384x16xf32, #tpu.memory_space<vmem_shared>>
      tpu.wait_indirect_dma semaphore(%arg12 : memref<!tpu.dma_semaphore, #tpu.memory_space<semaphore_mem>>) src(%arg7 : memref<256x16xf32, #tpu.memory_space<vmem>>) dst(%dma_wait3A_124 : memref<16384x16xf32, #tpu.memory_space<vmem_shared>>)
    }
    %scan3A_8 = arith.constant 20 : i32
    %barrier3A_9 = arith.constant 0 : index
    tpu.barrier barrier_id(%barrier3A_9)
    %mul3A_10 = arith.constant 1024 : i32
    %mul3A_11 = arith.muli %arg1, %mul3A_10 : i32
    %mul3A_12 = arith.constant 1024 : i32
    %mul3A_13 = arith.muli %arg1, %mul3A_12 : i32
    "tpu.region"() ({
      %run_scoped3A = tpu.sem_alloc : memref<!tpu.dma_semaphore, #tpu.memory_space<semaphore_mem>>
      %dma_start3A = arith.constant 0 : i32
      %dma_start3A_14 = tpu.memref_slice %arg5[%arg0, %mul3A_13, %dma_start3A] : memref<2x16384x16xf32, #tpu.memory_space<hbm>> -> memref<1x1024x16xf32, #tpu.memory_space<hbm>>
      %dma_start3A_15 = tpu.memref_squeeze %dma_start3A_14 : memref<1x1024x16xf32, #tpu.memory_space<hbm>> -> memref<1024x16xf32, #tpu.memory_space<hbm>>
      %dma_start3A_16 = arith.constant 0 : i32
      %dma_start3A_17 = tpu.memref_slice %arg6[%mul3A_11, %dma_start3A_16] : memref<16384x16xf32, #tpu.memory_space<vmem_shared>> -> memref<1024x16xf32, #tpu.memory_space<vmem_shared>>
      tpu.enqueue_dma source(%dma_start3A_17 : memref<1024x16xf32, #tpu.memory_space<vmem_shared>>) target(%dma_start3A_15 : memref<1024x16xf32, #tpu.memory_space<hbm>>) target_semaphore(%run_scoped3A : memref<!tpu.dma_semaphore, #tpu.memory_space<semaphore_mem>>)
      %dma_wait3A = arith.constant 0 : i32
      %dma_wait3A_18 = tpu.memref_slice %arg5[%arg0, %mul3A_13, %dma_wait3A] : memref<2x16384x16xf32, #tpu.memory_space<hbm>> -> memref<1x1024x16xf32, #tpu.memory_space<hbm>>
      %dma_wait3A_19 = tpu.memref_squeeze %dma_wait3A_18 : memref<1x1024x16xf32, #tpu.memory_space<hbm>> -> memref<1024x16xf32, #tpu.memory_space<hbm>>
      %dma_wait3A_20 = arith.constant 0 : i32
      %dma_wait3A_21 = tpu.memref_slice %arg6[%mul3A_11, %dma_wait3A_20] : memref<16384x16xf32, #tpu.memory_space<vmem_shared>> -> memref<1024x16xf32, #tpu.memory_space<vmem_shared>>
      tpu.wait_dma2 semaphore(%run_scoped3A : memref<!tpu.dma_semaphore, #tpu.memory_space<semaphore_mem>>) src(%dma_wait3A_21 : memref<1024x16xf32, #tpu.memory_space<vmem_shared>>) dst(%dma_wait3A_19 : memref<1024x16xf32, #tpu.memory_space<hbm>>)
      tpu.yield
    }) : () -> ()
    return
  }
}

#map = affine_map<(d0, d1) -> (0, 0)>
#map1 = affine_map<(d0, d1) -> (0, 0, 0, 0)>
#map2 = affine_map<(d0, d1) -> (0, 0, 0)>
module attributes {stable_mosaic.version = 14 : i64} {
  func.func @agg_kernel(%arg0: i32, %arg1: i32, %arg2: memref<16384x128xbf16, #tpu.memory_space<hbm>>, %arg3: memref<32x62x2x256xi32, #tpu.memory_space<hbm>>, %arg4: memref<16384x128xbf16, #tpu.memory_space<hbm>>, %arg5: memref<2x16384x128xbf16, #tpu.memory_space<hbm>>, %arg6: memref<16384x128xbf16, #tpu.memory_space<vmem_shared>>, %arg7: memref<2x256x128xbf16, #tpu.memory_space<vmem>>, %arg8: memref<2x2x256xi32, #tpu.memory_space<vmem>>, %arg9: memref<!tpu.dma_semaphore, #tpu.memory_space<semaphore_mem>>, %arg10: memref<!tpu.dma_semaphore, #tpu.memory_space<semaphore_mem>>, %arg11: memref<!tpu.dma_semaphore, #tpu.memory_space<semaphore_mem>>, %arg12: memref<!tpu.dma_semaphore, #tpu.memory_space<semaphore_mem>>, %arg13: memref<!tpu.dma_semaphore, #tpu.memory_space<semaphore_mem>>, %arg14: memref<!tpu.dma_semaphore, #tpu.memory_space<semaphore_mem>>) attributes {dimension_semantics = [#tpu.dimension_semantics<core_parallel>, #tpu.dimension_semantics<subcore_parallel>], iteration_bounds = array<i64: 2, 16>, scalar_prefetch = 0 : i64, scratch_operands = 9 : i64, tpu.core_type = #tpu.core_type<sc_vector_subcore>, window_params = [{transform_indices = #map}, {transform_indices = #map1}, {transform_indices = #map}, {transform_indices = #map2}]} {
    %mul3A = arith.constant 16 : i32
    %mul3A_0 = arith.muli %arg0, %mul3A : i32
    %add3A = arith.addi %mul3A_0, %arg1 : i32
    %eq3A = arith.constant 0 : i32
    %eq3A_1 = arith.cmpi eq, %arg0, %eq3A : i32
    %jit3A = arith.constant 18 : i32
    %jit3A_2 = arith.constant 62 : i32
    %select_n3A = arith.select %eq3A_1, %jit3A, %jit3A_2 : i32
    %mul3A_3 = arith.constant 1024 : i32
    %mul3A_4 = arith.muli %arg1, %mul3A_3 : i32
    %mul3A_5 = arith.constant 1024 : i32
    %mul3A_6 = arith.muli %arg1, %mul3A_5 : i32
    "tpu.region"() ({
      %run_scoped3A = tpu.sem_alloc : memref<!tpu.dma_semaphore, #tpu.memory_space<semaphore_mem>>
      %dma_start3A = arith.constant 0 : i32
      %dma_start3A_48 = tpu.memref_slice %arg6[%mul3A_6, %dma_start3A] : memref<16384x128xbf16, #tpu.memory_space<vmem_shared>> -> memref<1024x128xbf16, #tpu.memory_space<vmem_shared>>
      %dma_start3A_49 = arith.constant 0 : i32
      %dma_start3A_50 = tpu.memref_slice %arg4[%mul3A_4, %dma_start3A_49] : memref<16384x128xbf16, #tpu.memory_space<hbm>> -> memref<1024x128xbf16, #tpu.memory_space<hbm>>
      tpu.enqueue_dma source(%dma_start3A_50 : memref<1024x128xbf16, #tpu.memory_space<hbm>>) target(%dma_start3A_48 : memref<1024x128xbf16, #tpu.memory_space<vmem_shared>>) target_semaphore(%run_scoped3A : memref<!tpu.dma_semaphore, #tpu.memory_space<semaphore_mem>>)
      %dma_wait3A = arith.constant 0 : i32
      %dma_wait3A_51 = tpu.memref_slice %arg6[%mul3A_6, %dma_wait3A] : memref<16384x128xbf16, #tpu.memory_space<vmem_shared>> -> memref<1024x128xbf16, #tpu.memory_space<vmem_shared>>
      %dma_wait3A_52 = arith.constant 0 : i32
      %dma_wait3A_53 = tpu.memref_slice %arg4[%mul3A_4, %dma_wait3A_52] : memref<16384x128xbf16, #tpu.memory_space<hbm>> -> memref<1024x128xbf16, #tpu.memory_space<hbm>>
      tpu.wait_dma2 semaphore(%run_scoped3A : memref<!tpu.dma_semaphore, #tpu.memory_space<semaphore_mem>>) src(%dma_wait3A_53 : memref<1024x128xbf16, #tpu.memory_space<hbm>>) dst(%dma_wait3A_51 : memref<1024x128xbf16, #tpu.memory_space<vmem_shared>>)
      tpu.yield
    }) : () -> ()
    %barrier3A = arith.constant 0 : index
    tpu.barrier barrier_id(%barrier3A)
    %jit3A_7 = arith.constant 2 : i32
    %div3A = arith.divsi %select_n3A, %jit3A_7 : i32
    %sign3A = arith.constant 0 : i32
    %sign3A_8 = arith.cmpi sgt, %select_n3A, %sign3A : i32
    %sign3A_9 = arith.extui %sign3A_8 : i1 to i32
    %sign3A_10 = arith.constant 0 : i32
    %sign3A_11 = arith.cmpi slt, %select_n3A, %sign3A_10 : i32
    %sign3A_12 = arith.extui %sign3A_11 : i1 to i32
    %sign3A_13 = arith.subi %sign3A_9, %sign3A_12 : i32
    %sign3A_14 = arith.constant 0 : i32
    %sign3A_15 = arith.cmpi sgt, %jit3A_7, %sign3A_14 : i32
    %sign3A_16 = arith.extui %sign3A_15 : i1 to i32
    %sign3A_17 = arith.constant 0 : i32
    %sign3A_18 = arith.cmpi slt, %jit3A_7, %sign3A_17 : i32
    %sign3A_19 = arith.extui %sign3A_18 : i1 to i32
    %sign3A_20 = arith.subi %sign3A_16, %sign3A_19 : i32
    %ne3A = arith.cmpi ne, %sign3A_13, %sign3A_20 : i32
    %rem3A = arith.remsi %select_n3A, %jit3A_7 : i32
    %ne3A_21 = arith.constant 0 : i32
    %ne3A_22 = arith.cmpi ne, %rem3A, %ne3A_21 : i32
    %and3A = arith.andi %ne3A, %ne3A_22 : i1
    %sub3A = arith.constant 1 : i32
    %sub3A_23 = arith.subi %div3A, %sub3A : i32
    %select_n3A_24 = arith.select %and3A, %sub3A_23, %div3A : i32
    %sub3A_25 = arith.constant 0 : i32
    %sub3A_26 = arith.subi %select_n3A_24, %sub3A_25 : i32
    %sub3A_27 = arith.constant 1 : i32
    %sub3A_28 = arith.constant 1 : i32
    %sub3A_29 = arith.subi %sub3A_27, %sub3A_28 : i32
    %add3A_30 = arith.addi %sub3A_26, %sub3A_29 : i32
    %div3A_31 = arith.constant 1 : i32
    %div3A_32 = arith.divsi %add3A_30, %div3A_31 : i32
    %while3A = arith.constant 1 : i32
    %while3A_33 = arith.constant 0 : i32
    %while3A_34 = arith.constant 0 : i32
    %while3A_35 = arith.subi %div3A_32, %while3A_34 : i32
    %while3A_36 = arith.addi %while3A_34, %while3A_35 : i32
    %while3A_37 = arith.constant 1 : i32
    %while3A_38 = arith.divsi %while3A_35, %while3A_37 : i32
    %while3A_39 = arith.muli %while3A_38, %while3A_37 : i32
    %while3A_40 = arith.addi %while3A_34, %while3A_39 : i32
    %while3A_41 = arith.constant 1 : i32
    scf.for %while3A_48 = %while3A_34 to %while3A_40 step %while3A_41  : i32 {
      %mul3A_49 = arith.muli %while3A_48, %while3A : i32
      %add3A_50 = arith.addi %while3A_33, %mul3A_49 : i32
      %mul3A_51 = arith.constant 2 : i32
      %mul3A_52 = arith.muli %mul3A_51, %add3A_50 : i32
      %add3A_53 = arith.constant 0 : i32
      %add3A_54 = arith.addi %mul3A_52, %add3A_53 : i32
      %dma_start3A = arith.constant 0 : i32
      %dma_start3A_55 = arith.constant 0 : i32
      %dma_start3A_56 = arith.constant 0 : i32
      %dma_start3A_57 = tpu.memref_slice %arg8[%dma_start3A, %dma_start3A_55, %dma_start3A_56] : memref<2x2x256xi32, #tpu.memory_space<vmem>> -> memref<1x2x256xi32, #tpu.memory_space<vmem>>
      %dma_start3A_58 = tpu.memref_squeeze %dma_start3A_57 : memref<1x2x256xi32, #tpu.memory_space<vmem>> -> memref<2x256xi32, #tpu.memory_space<vmem>>
      %dma_start3A_59 = arith.constant 0 : i32
      %dma_start3A_60 = arith.constant 0 : i32
      %dma_start3A_61 = tpu.memref_slice %arg3[%add3A, %add3A_54, %dma_start3A_59, %dma_start3A_60] : memref<32x62x2x256xi32, #tpu.memory_space<hbm>> -> memref<1x1x2x256xi32, #tpu.memory_space<hbm>>
      %dma_start3A_62 = tpu.memref_squeeze %dma_start3A_61 : memref<1x1x2x256xi32, #tpu.memory_space<hbm>> -> memref<2x256xi32, #tpu.memory_space<hbm>>
      %dma_start3A_63 = arith.constant 0 : i32
      %dma_start3A_64 = arith.constant 0 : i32
      %dma_start3A_65 = tpu.memref_slice %arg8[%dma_start3A, %dma_start3A_63, %dma_start3A_64] : memref<2x2x256xi32, #tpu.memory_space<vmem>> -> memref<1x2x256xi32, #tpu.memory_space<vmem>>
      %dma_start3A_66 = tpu.memref_squeeze %dma_start3A_65 : memref<1x2x256xi32, #tpu.memory_space<vmem>> -> memref<2x256xi32, #tpu.memory_space<vmem>>
      %dma_start3A_67 = arith.constant 0 : i32
      %dma_start3A_68 = arith.constant 0 : i32
      %dma_start3A_69 = tpu.memref_slice %arg3[%add3A, %add3A_54, %dma_start3A_67, %dma_start3A_68] : memref<32x62x2x256xi32, #tpu.memory_space<hbm>> -> memref<1x1x2x256xi32, #tpu.memory_space<hbm>>
      %dma_start3A_70 = tpu.memref_squeeze %dma_start3A_69 : memref<1x1x2x256xi32, #tpu.memory_space<hbm>> -> memref<2x256xi32, #tpu.memory_space<hbm>>
      tpu.enqueue_dma source(%dma_start3A_70 : memref<2x256xi32, #tpu.memory_space<hbm>>) target(%dma_start3A_66 : memref<2x256xi32, #tpu.memory_space<vmem>>) target_semaphore(%arg9 : memref<!tpu.dma_semaphore, #tpu.memory_space<semaphore_mem>>)
      %mul3A_71 = arith.constant 2 : i32
      %mul3A_72 = arith.muli %mul3A_71, %add3A_50 : i32
      %add3A_73 = arith.constant 1 : i32
      %add3A_74 = arith.addi %mul3A_72, %add3A_73 : i32
      %dma_start3A_75 = arith.constant 1 : i32
      %dma_start3A_76 = arith.constant 0 : i32
      %dma_start3A_77 = arith.constant 0 : i32
      %dma_start3A_78 = tpu.memref_slice %arg8[%dma_start3A_75, %dma_start3A_76, %dma_start3A_77] : memref<2x2x256xi32, #tpu.memory_space<vmem>> -> memref<1x2x256xi32, #tpu.memory_space<vmem>>
      %dma_start3A_79 = tpu.memref_squeeze %dma_start3A_78 : memref<1x2x256xi32, #tpu.memory_space<vmem>> -> memref<2x256xi32, #tpu.memory_space<vmem>>
      %dma_start3A_80 = arith.constant 0 : i32
      %dma_start3A_81 = arith.constant 0 : i32
      %dma_start3A_82 = tpu.memref_slice %arg3[%add3A, %add3A_74, %dma_start3A_80, %dma_start3A_81] : memref<32x62x2x256xi32, #tpu.memory_space<hbm>> -> memref<1x1x2x256xi32, #tpu.memory_space<hbm>>
      %dma_start3A_83 = tpu.memref_squeeze %dma_start3A_82 : memref<1x1x2x256xi32, #tpu.memory_space<hbm>> -> memref<2x256xi32, #tpu.memory_space<hbm>>
      %dma_start3A_84 = arith.constant 0 : i32
      %dma_start3A_85 = arith.constant 0 : i32
      %dma_start3A_86 = tpu.memref_slice %arg8[%dma_start3A_75, %dma_start3A_84, %dma_start3A_85] : memref<2x2x256xi32, #tpu.memory_space<vmem>> -> memref<1x2x256xi32, #tpu.memory_space<vmem>>
      %dma_start3A_87 = tpu.memref_squeeze %dma_start3A_86 : memref<1x2x256xi32, #tpu.memory_space<vmem>> -> memref<2x256xi32, #tpu.memory_space<vmem>>
      %dma_start3A_88 = arith.constant 0 : i32
      %dma_start3A_89 = arith.constant 0 : i32
      %dma_start3A_90 = tpu.memref_slice %arg3[%add3A, %add3A_74, %dma_start3A_88, %dma_start3A_89] : memref<32x62x2x256xi32, #tpu.memory_space<hbm>> -> memref<1x1x2x256xi32, #tpu.memory_space<hbm>>
      %dma_start3A_91 = tpu.memref_squeeze %dma_start3A_90 : memref<1x1x2x256xi32, #tpu.memory_space<hbm>> -> memref<2x256xi32, #tpu.memory_space<hbm>>
      tpu.enqueue_dma source(%dma_start3A_91 : memref<2x256xi32, #tpu.memory_space<hbm>>) target(%dma_start3A_87 : memref<2x256xi32, #tpu.memory_space<vmem>>) target_semaphore(%arg10 : memref<!tpu.dma_semaphore, #tpu.memory_space<semaphore_mem>>)
      %dma_wait3A = arith.constant 0 : i32
      %dma_wait3A_92 = arith.constant 0 : i32
      %dma_wait3A_93 = arith.constant 0 : i32
      %dma_wait3A_94 = tpu.memref_slice %arg8[%dma_wait3A, %dma_wait3A_92, %dma_wait3A_93] : memref<2x2x256xi32, #tpu.memory_space<vmem>> -> memref<1x2x256xi32, #tpu.memory_space<vmem>>
      %dma_wait3A_95 = tpu.memref_squeeze %dma_wait3A_94 : memref<1x2x256xi32, #tpu.memory_space<vmem>> -> memref<2x256xi32, #tpu.memory_space<vmem>>
      %dma_wait3A_96 = arith.constant 0 : i32
      %dma_wait3A_97 = arith.constant 0 : i32
      %dma_wait3A_98 = tpu.memref_slice %arg3[%add3A, %add3A_54, %dma_wait3A_96, %dma_wait3A_97] : memref<32x62x2x256xi32, #tpu.memory_space<hbm>> -> memref<1x1x2x256xi32, #tpu.memory_space<hbm>>
      %dma_wait3A_99 = tpu.memref_squeeze %dma_wait3A_98 : memref<1x1x2x256xi32, #tpu.memory_space<hbm>> -> memref<2x256xi32, #tpu.memory_space<hbm>>
      %dma_wait3A_100 = arith.constant 0 : i32
      %dma_wait3A_101 = arith.constant 0 : i32
      %dma_wait3A_102 = tpu.memref_slice %arg8[%dma_wait3A, %dma_wait3A_100, %dma_wait3A_101] : memref<2x2x256xi32, #tpu.memory_space<vmem>> -> memref<1x2x256xi32, #tpu.memory_space<vmem>>
      %dma_wait3A_103 = tpu.memref_squeeze %dma_wait3A_102 : memref<1x2x256xi32, #tpu.memory_space<vmem>> -> memref<2x256xi32, #tpu.memory_space<vmem>>
      %dma_wait3A_104 = arith.constant 0 : i32
      %dma_wait3A_105 = arith.constant 0 : i32
      %dma_wait3A_106 = tpu.memref_slice %arg3[%add3A, %add3A_54, %dma_wait3A_104, %dma_wait3A_105] : memref<32x62x2x256xi32, #tpu.memory_space<hbm>> -> memref<1x1x2x256xi32, #tpu.memory_space<hbm>>
      %dma_wait3A_107 = tpu.memref_squeeze %dma_wait3A_106 : memref<1x1x2x256xi32, #tpu.memory_space<hbm>> -> memref<2x256xi32, #tpu.memory_space<hbm>>
      tpu.wait_dma2 semaphore(%arg9 : memref<!tpu.dma_semaphore, #tpu.memory_space<semaphore_mem>>) src(%dma_wait3A_107 : memref<2x256xi32, #tpu.memory_space<hbm>>) dst(%dma_wait3A_103 : memref<2x256xi32, #tpu.memory_space<vmem>>)
      %dma_start3A_108 = arith.constant 0 : i32
      %dma_start3A_109 = arith.constant 0 : i32
      %dma_start3A_110 = arith.constant 0 : i32
      %dma_start3A_111 = arith.constant 0 : i32
      %dma_start3A_112 = arith.constant 0 : i32
      %dma_start3A_113 = tpu.memref_slice %arg7[%dma_start3A_110, %dma_start3A_111, %dma_start3A_112] : memref<2x256x128xbf16, #tpu.memory_space<vmem>> -> memref<1x256x128xbf16, #tpu.memory_space<vmem>>
      %dma_start3A_114 = tpu.memref_squeeze %dma_start3A_113 : memref<1x256x128xbf16, #tpu.memory_space<vmem>> -> memref<256x128xbf16, #tpu.memory_space<vmem>>
      %dma_start3A_115 = arith.constant 0 : i32
      %dma_start3A_116 = tpu.memref_slice %arg8[%dma_start3A_108, %dma_start3A_109, %dma_start3A_115] : memref<2x2x256xi32, #tpu.memory_space<vmem>> -> memref<1x1x256xi32, #tpu.memory_space<vmem>>
      %dma_start3A_117 = tpu.memref_squeeze %dma_start3A_116 : memref<1x1x256xi32, #tpu.memory_space<vmem>> -> memref<256xi32, #tpu.memory_space<vmem>>
      %dma_start3A_118 = arith.constant 0 : i32
      %dma_start3A_119 = arith.constant 0 : i32
      %dma_start3A_120 = tpu.memref_slice %arg2[%dma_start3A_118, %dma_start3A_119] : memref<16384x128xbf16, #tpu.memory_space<hbm>> -> memref<16384x128xbf16, #tpu.memory_space<hbm>>
      tpu.enqueue_indirect_dma source(%dma_start3A_120 : memref<16384x128xbf16, #tpu.memory_space<hbm>>) target(%dma_start3A_114 : memref<256x128xbf16, #tpu.memory_space<vmem>>) offsets(%dma_start3A_117 : memref<256xi32, #tpu.memory_space<vmem>>) semaphore(%arg11 : memref<!tpu.dma_semaphore, #tpu.memory_space<semaphore_mem>>)
      %dma_wait3A_121 = arith.constant 1 : i32
      %dma_wait3A_122 = arith.constant 0 : i32
      %dma_wait3A_123 = arith.constant 0 : i32
      %dma_wait3A_124 = tpu.memref_slice %arg8[%dma_wait3A_121, %dma_wait3A_122, %dma_wait3A_123] : memref<2x2x256xi32, #tpu.memory_space<vmem>> -> memref<1x2x256xi32, #tpu.memory_space<vmem>>
      %dma_wait3A_125 = tpu.memref_squeeze %dma_wait3A_124 : memref<1x2x256xi32, #tpu.memory_space<vmem>> -> memref<2x256xi32, #tpu.memory_space<vmem>>
      %dma_wait3A_126 = arith.constant 0 : i32
      %dma_wait3A_127 = arith.constant 0 : i32
      %dma_wait3A_128 = tpu.memref_slice %arg3[%add3A, %add3A_74, %dma_wait3A_126, %dma_wait3A_127] : memref<32x62x2x256xi32, #tpu.memory_space<hbm>> -> memref<1x1x2x256xi32, #tpu.memory_space<hbm>>
      %dma_wait3A_129 = tpu.memref_squeeze %dma_wait3A_128 : memref<1x1x2x256xi32, #tpu.memory_space<hbm>> -> memref<2x256xi32, #tpu.memory_space<hbm>>
      %dma_wait3A_130 = arith.constant 0 : i32
      %dma_wait3A_131 = arith.constant 0 : i32
      %dma_wait3A_132 = tpu.memref_slice %arg8[%dma_wait3A_121, %dma_wait3A_130, %dma_wait3A_131] : memref<2x2x256xi32, #tpu.memory_space<vmem>> -> memref<1x2x256xi32, #tpu.memory_space<vmem>>
      %dma_wait3A_133 = tpu.memref_squeeze %dma_wait3A_132 : memref<1x2x256xi32, #tpu.memory_space<vmem>> -> memref<2x256xi32, #tpu.memory_space<vmem>>
      %dma_wait3A_134 = arith.constant 0 : i32
      %dma_wait3A_135 = arith.constant 0 : i32
      %dma_wait3A_136 = tpu.memref_slice %arg3[%add3A, %add3A_74, %dma_wait3A_134, %dma_wait3A_135] : memref<32x62x2x256xi32, #tpu.memory_space<hbm>> -> memref<1x1x2x256xi32, #tpu.memory_space<hbm>>
      %dma_wait3A_137 = tpu.memref_squeeze %dma_wait3A_136 : memref<1x1x2x256xi32, #tpu.memory_space<hbm>> -> memref<2x256xi32, #tpu.memory_space<hbm>>
      tpu.wait_dma2 semaphore(%arg10 : memref<!tpu.dma_semaphore, #tpu.memory_space<semaphore_mem>>) src(%dma_wait3A_137 : memref<2x256xi32, #tpu.memory_space<hbm>>) dst(%dma_wait3A_133 : memref<2x256xi32, #tpu.memory_space<vmem>>)
      %dma_start3A_138 = arith.constant 1 : i32
      %dma_start3A_139 = arith.constant 0 : i32
      %dma_start3A_140 = arith.constant 1 : i32
      %dma_start3A_141 = arith.constant 0 : i32
      %dma_start3A_142 = arith.constant 0 : i32
      %dma_start3A_143 = tpu.memref_slice %arg7[%dma_start3A_140, %dma_start3A_141, %dma_start3A_142] : memref<2x256x128xbf16, #tpu.memory_space<vmem>> -> memref<1x256x128xbf16, #tpu.memory_space<vmem>>
      %dma_start3A_144 = tpu.memref_squeeze %dma_start3A_143 : memref<1x256x128xbf16, #tpu.memory_space<vmem>> -> memref<256x128xbf16, #tpu.memory_space<vmem>>
      %dma_start3A_145 = arith.constant 0 : i32
      %dma_start3A_146 = tpu.memref_slice %arg8[%dma_start3A_138, %dma_start3A_139, %dma_start3A_145] : memref<2x2x256xi32, #tpu.memory_space<vmem>> -> memref<1x1x256xi32, #tpu.memory_space<vmem>>
      %dma_start3A_147 = tpu.memref_squeeze %dma_start3A_146 : memref<1x1x256xi32, #tpu.memory_space<vmem>> -> memref<256xi32, #tpu.memory_space<vmem>>
      %dma_start3A_148 = arith.constant 0 : i32
      %dma_start3A_149 = arith.constant 0 : i32
      %dma_start3A_150 = tpu.memref_slice %arg2[%dma_start3A_148, %dma_start3A_149] : memref<16384x128xbf16, #tpu.memory_space<hbm>> -> memref<16384x128xbf16, #tpu.memory_space<hbm>>
      tpu.enqueue_indirect_dma source(%dma_start3A_150 : memref<16384x128xbf16, #tpu.memory_space<hbm>>) target(%dma_start3A_144 : memref<256x128xbf16, #tpu.memory_space<vmem>>) offsets(%dma_start3A_147 : memref<256xi32, #tpu.memory_space<vmem>>) semaphore(%arg12 : memref<!tpu.dma_semaphore, #tpu.memory_space<semaphore_mem>>)
      %dma_wait3A_151 = arith.constant 0 : i32
      %dma_wait3A_152 = arith.constant 0 : i32
      %dma_wait3A_153 = arith.constant 0 : i32
      %dma_wait3A_154 = arith.constant 0 : i32
      %dma_wait3A_155 = arith.constant 0 : i32
      %dma_wait3A_156 = tpu.memref_slice %arg7[%dma_wait3A_153, %dma_wait3A_154, %dma_wait3A_155] : memref<2x256x128xbf16, #tpu.memory_space<vmem>> -> memref<1x256x128xbf16, #tpu.memory_space<vmem>>
      %dma_wait3A_157 = tpu.memref_squeeze %dma_wait3A_156 : memref<1x256x128xbf16, #tpu.memory_space<vmem>> -> memref<256x128xbf16, #tpu.memory_space<vmem>>
      %dma_wait3A_158 = arith.constant 0 : i32
      %dma_wait3A_159 = tpu.memref_slice %arg8[%dma_wait3A_151, %dma_wait3A_152, %dma_wait3A_158] : memref<2x2x256xi32, #tpu.memory_space<vmem>> -> memref<1x1x256xi32, #tpu.memory_space<vmem>>
      %dma_wait3A_160 = tpu.memref_squeeze %dma_wait3A_159 : memref<1x1x256xi32, #tpu.memory_space<vmem>> -> memref<256xi32, #tpu.memory_space<vmem>>
      %dma_wait3A_161 = arith.constant 0 : i32
      %dma_wait3A_162 = arith.constant 0 : i32
      %dma_wait3A_163 = tpu.memref_slice %arg2[%dma_wait3A_161, %dma_wait3A_162] : memref<16384x128xbf16, #tpu.memory_space<hbm>> -> memref<16384x128xbf16, #tpu.memory_space<hbm>>
      tpu.wait_indirect_dma semaphore(%arg11 : memref<!tpu.dma_semaphore, #tpu.memory_space<semaphore_mem>>) src(%dma_wait3A_163 : memref<16384x128xbf16, #tpu.memory_space<hbm>>) dst(%dma_wait3A_157 : memref<256x128xbf16, #tpu.memory_space<vmem>>)
      %dma_start3A_164 = arith.constant 0 : i32
      %dma_start3A_165 = arith.constant 0 : i32
      %dma_start3A_166 = arith.constant 1 : i32
      %dma_start3A_167 = arith.constant 0 : i32
      %dma_start3A_168 = arith.constant 0 : i32
      %dma_start3A_169 = tpu.memref_slice %arg7[%dma_start3A_164, %dma_start3A_167, %dma_start3A_168] : memref<2x256x128xbf16, #tpu.memory_space<vmem>> -> memref<1x256x128xbf16, #tpu.memory_space<vmem>>
      %dma_start3A_170 = tpu.memref_squeeze %dma_start3A_169 : memref<1x256x128xbf16, #tpu.memory_space<vmem>> -> memref<256x128xbf16, #tpu.memory_space<vmem>>
      %dma_start3A_171 = arith.constant 0 : i32
      %dma_start3A_172 = tpu.memref_slice %arg8[%dma_start3A_165, %dma_start3A_166, %dma_start3A_171] : memref<2x2x256xi32, #tpu.memory_space<vmem>> -> memref<1x1x256xi32, #tpu.memory_space<vmem>>
      %dma_start3A_173 = tpu.memref_squeeze %dma_start3A_172 : memref<1x1x256xi32, #tpu.memory_space<vmem>> -> memref<256xi32, #tpu.memory_space<vmem>>
      %dma_start3A_174 = arith.constant 0 : i32
      %dma_start3A_175 = arith.constant 0 : i32
      %dma_start3A_176 = tpu.memref_slice %arg6[%dma_start3A_174, %dma_start3A_175] : memref<16384x128xbf16, #tpu.memory_space<vmem_shared>> -> memref<16384x128xbf16, #tpu.memory_space<vmem_shared>>
      tpu.enqueue_indirect_dma source(%dma_start3A_170 : memref<256x128xbf16, #tpu.memory_space<vmem>>) target(%dma_start3A_176 : memref<16384x128xbf16, #tpu.memory_space<vmem_shared>>) offsets(%dma_start3A_173 : memref<256xi32, #tpu.memory_space<vmem>>) semaphore(%arg13 : memref<!tpu.dma_semaphore, #tpu.memory_space<semaphore_mem>>) {add = true}
      %dma_wait3A_177 = arith.constant 1 : i32
      %dma_wait3A_178 = arith.constant 0 : i32
      %dma_wait3A_179 = arith.constant 1 : i32
      %dma_wait3A_180 = arith.constant 0 : i32
      %dma_wait3A_181 = arith.constant 0 : i32
      %dma_wait3A_182 = tpu.memref_slice %arg7[%dma_wait3A_179, %dma_wait3A_180, %dma_wait3A_181] : memref<2x256x128xbf16, #tpu.memory_space<vmem>> -> memref<1x256x128xbf16, #tpu.memory_space<vmem>>
      %dma_wait3A_183 = tpu.memref_squeeze %dma_wait3A_182 : memref<1x256x128xbf16, #tpu.memory_space<vmem>> -> memref<256x128xbf16, #tpu.memory_space<vmem>>
      %dma_wait3A_184 = arith.constant 0 : i32
      %dma_wait3A_185 = tpu.memref_slice %arg8[%dma_wait3A_177, %dma_wait3A_178, %dma_wait3A_184] : memref<2x2x256xi32, #tpu.memory_space<vmem>> -> memref<1x1x256xi32, #tpu.memory_space<vmem>>
      %dma_wait3A_186 = tpu.memref_squeeze %dma_wait3A_185 : memref<1x1x256xi32, #tpu.memory_space<vmem>> -> memref<256xi32, #tpu.memory_space<vmem>>
      %dma_wait3A_187 = arith.constant 0 : i32
      %dma_wait3A_188 = arith.constant 0 : i32
      %dma_wait3A_189 = tpu.memref_slice %arg2[%dma_wait3A_187, %dma_wait3A_188] : memref<16384x128xbf16, #tpu.memory_space<hbm>> -> memref<16384x128xbf16, #tpu.memory_space<hbm>>
      tpu.wait_indirect_dma semaphore(%arg12 : memref<!tpu.dma_semaphore, #tpu.memory_space<semaphore_mem>>) src(%dma_wait3A_189 : memref<16384x128xbf16, #tpu.memory_space<hbm>>) dst(%dma_wait3A_183 : memref<256x128xbf16, #tpu.memory_space<vmem>>)
      %dma_start3A_190 = arith.constant 1 : i32
      %dma_start3A_191 = arith.constant 1 : i32
      %dma_start3A_192 = arith.constant 1 : i32
      %dma_start3A_193 = arith.constant 0 : i32
      %dma_start3A_194 = arith.constant 0 : i32
      %dma_start3A_195 = tpu.memref_slice %arg7[%dma_start3A_190, %dma_start3A_193, %dma_start3A_194] : memref<2x256x128xbf16, #tpu.memory_space<vmem>> -> memref<1x256x128xbf16, #tpu.memory_space<vmem>>
      %dma_start3A_196 = tpu.memref_squeeze %dma_start3A_195 : memref<1x256x128xbf16, #tpu.memory_space<vmem>> -> memref<256x128xbf16, #tpu.memory_space<vmem>>
      %dma_start3A_197 = arith.constant 0 : i32
      %dma_start3A_198 = tpu.memref_slice %arg8[%dma_start3A_191, %dma_start3A_192, %dma_start3A_197] : memref<2x2x256xi32, #tpu.memory_space<vmem>> -> memref<1x1x256xi32, #tpu.memory_space<vmem>>
      %dma_start3A_199 = tpu.memref_squeeze %dma_start3A_198 : memref<1x1x256xi32, #tpu.memory_space<vmem>> -> memref<256xi32, #tpu.memory_space<vmem>>
      %dma_start3A_200 = arith.constant 0 : i32
      %dma_start3A_201 = arith.constant 0 : i32
      %dma_start3A_202 = tpu.memref_slice %arg6[%dma_start3A_200, %dma_start3A_201] : memref<16384x128xbf16, #tpu.memory_space<vmem_shared>> -> memref<16384x128xbf16, #tpu.memory_space<vmem_shared>>
      tpu.enqueue_indirect_dma source(%dma_start3A_196 : memref<256x128xbf16, #tpu.memory_space<vmem>>) target(%dma_start3A_202 : memref<16384x128xbf16, #tpu.memory_space<vmem_shared>>) offsets(%dma_start3A_199 : memref<256xi32, #tpu.memory_space<vmem>>) semaphore(%arg14 : memref<!tpu.dma_semaphore, #tpu.memory_space<semaphore_mem>>) {add = true}
      %dma_wait3A_203 = arith.constant 0 : i32
      %dma_wait3A_204 = arith.constant 0 : i32
      %dma_wait3A_205 = arith.constant 1 : i32
      %dma_wait3A_206 = arith.constant 0 : i32
      %dma_wait3A_207 = arith.constant 0 : i32
      %dma_wait3A_208 = tpu.memref_slice %arg7[%dma_wait3A_203, %dma_wait3A_206, %dma_wait3A_207] : memref<2x256x128xbf16, #tpu.memory_space<vmem>> -> memref<1x256x128xbf16, #tpu.memory_space<vmem>>
      %dma_wait3A_209 = tpu.memref_squeeze %dma_wait3A_208 : memref<1x256x128xbf16, #tpu.memory_space<vmem>> -> memref<256x128xbf16, #tpu.memory_space<vmem>>
      %dma_wait3A_210 = arith.constant 0 : i32
      %dma_wait3A_211 = tpu.memref_slice %arg8[%dma_wait3A_204, %dma_wait3A_205, %dma_wait3A_210] : memref<2x2x256xi32, #tpu.memory_space<vmem>> -> memref<1x1x256xi32, #tpu.memory_space<vmem>>
      %dma_wait3A_212 = tpu.memref_squeeze %dma_wait3A_211 : memref<1x1x256xi32, #tpu.memory_space<vmem>> -> memref<256xi32, #tpu.memory_space<vmem>>
      %dma_wait3A_213 = arith.constant 0 : i32
      %dma_wait3A_214 = arith.constant 0 : i32
      %dma_wait3A_215 = tpu.memref_slice %arg6[%dma_wait3A_213, %dma_wait3A_214] : memref<16384x128xbf16, #tpu.memory_space<vmem_shared>> -> memref<16384x128xbf16, #tpu.memory_space<vmem_shared>>
      tpu.wait_indirect_dma semaphore(%arg13 : memref<!tpu.dma_semaphore, #tpu.memory_space<semaphore_mem>>) src(%dma_wait3A_209 : memref<256x128xbf16, #tpu.memory_space<vmem>>) dst(%dma_wait3A_215 : memref<16384x128xbf16, #tpu.memory_space<vmem_shared>>)
      %dma_wait3A_216 = arith.constant 1 : i32
      %dma_wait3A_217 = arith.constant 1 : i32
      %dma_wait3A_218 = arith.constant 1 : i32
      %dma_wait3A_219 = arith.constant 0 : i32
      %dma_wait3A_220 = arith.constant 0 : i32
      %dma_wait3A_221 = tpu.memref_slice %arg7[%dma_wait3A_216, %dma_wait3A_219, %dma_wait3A_220] : memref<2x256x128xbf16, #tpu.memory_space<vmem>> -> memref<1x256x128xbf16, #tpu.memory_space<vmem>>
      %dma_wait3A_222 = tpu.memref_squeeze %dma_wait3A_221 : memref<1x256x128xbf16, #tpu.memory_space<vmem>> -> memref<256x128xbf16, #tpu.memory_space<vmem>>
      %dma_wait3A_223 = arith.constant 0 : i32
      %dma_wait3A_224 = tpu.memref_slice %arg8[%dma_wait3A_217, %dma_wait3A_218, %dma_wait3A_223] : memref<2x2x256xi32, #tpu.memory_space<vmem>> -> memref<1x1x256xi32, #tpu.memory_space<vmem>>
      %dma_wait3A_225 = tpu.memref_squeeze %dma_wait3A_224 : memref<1x1x256xi32, #tpu.memory_space<vmem>> -> memref<256xi32, #tpu.memory_space<vmem>>
      %dma_wait3A_226 = arith.constant 0 : i32
      %dma_wait3A_227 = arith.constant 0 : i32
      %dma_wait3A_228 = tpu.memref_slice %arg6[%dma_wait3A_226, %dma_wait3A_227] : memref<16384x128xbf16, #tpu.memory_space<vmem_shared>> -> memref<16384x128xbf16, #tpu.memory_space<vmem_shared>>
      tpu.wait_indirect_dma semaphore(%arg14 : memref<!tpu.dma_semaphore, #tpu.memory_space<semaphore_mem>>) src(%dma_wait3A_222 : memref<256x128xbf16, #tpu.memory_space<vmem>>) dst(%dma_wait3A_228 : memref<16384x128xbf16, #tpu.memory_space<vmem_shared>>)
    }
    %while3A_42 = arith.constant 1 : i32
    scf.for %while3A_48 = %while3A_40 to %while3A_36 step %while3A_42  : i32 {
      %mul3A_49 = arith.muli %while3A_48, %while3A : i32
      %add3A_50 = arith.addi %while3A_33, %mul3A_49 : i32
      %mul3A_51 = arith.constant 2 : i32
      %mul3A_52 = arith.muli %mul3A_51, %add3A_50 : i32
      %add3A_53 = arith.constant 0 : i32
      %add3A_54 = arith.addi %mul3A_52, %add3A_53 : i32
      %dma_start3A = arith.constant 0 : i32
      %dma_start3A_55 = arith.constant 0 : i32
      %dma_start3A_56 = arith.constant 0 : i32
      %dma_start3A_57 = tpu.memref_slice %arg8[%dma_start3A, %dma_start3A_55, %dma_start3A_56] : memref<2x2x256xi32, #tpu.memory_space<vmem>> -> memref<1x2x256xi32, #tpu.memory_space<vmem>>
      %dma_start3A_58 = tpu.memref_squeeze %dma_start3A_57 : memref<1x2x256xi32, #tpu.memory_space<vmem>> -> memref<2x256xi32, #tpu.memory_space<vmem>>
      %dma_start3A_59 = arith.constant 0 : i32
      %dma_start3A_60 = arith.constant 0 : i32
      %dma_start3A_61 = tpu.memref_slice %arg3[%add3A, %add3A_54, %dma_start3A_59, %dma_start3A_60] : memref<32x62x2x256xi32, #tpu.memory_space<hbm>> -> memref<1x1x2x256xi32, #tpu.memory_space<hbm>>
      %dma_start3A_62 = tpu.memref_squeeze %dma_start3A_61 : memref<1x1x2x256xi32, #tpu.memory_space<hbm>> -> memref<2x256xi32, #tpu.memory_space<hbm>>
      %dma_start3A_63 = arith.constant 0 : i32
      %dma_start3A_64 = arith.constant 0 : i32
      %dma_start3A_65 = tpu.memref_slice %arg8[%dma_start3A, %dma_start3A_63, %dma_start3A_64] : memref<2x2x256xi32, #tpu.memory_space<vmem>> -> memref<1x2x256xi32, #tpu.memory_space<vmem>>
      %dma_start3A_66 = tpu.memref_squeeze %dma_start3A_65 : memref<1x2x256xi32, #tpu.memory_space<vmem>> -> memref<2x256xi32, #tpu.memory_space<vmem>>
      %dma_start3A_67 = arith.constant 0 : i32
      %dma_start3A_68 = arith.constant 0 : i32
      %dma_start3A_69 = tpu.memref_slice %arg3[%add3A, %add3A_54, %dma_start3A_67, %dma_start3A_68] : memref<32x62x2x256xi32, #tpu.memory_space<hbm>> -> memref<1x1x2x256xi32, #tpu.memory_space<hbm>>
      %dma_start3A_70 = tpu.memref_squeeze %dma_start3A_69 : memref<1x1x2x256xi32, #tpu.memory_space<hbm>> -> memref<2x256xi32, #tpu.memory_space<hbm>>
      tpu.enqueue_dma source(%dma_start3A_70 : memref<2x256xi32, #tpu.memory_space<hbm>>) target(%dma_start3A_66 : memref<2x256xi32, #tpu.memory_space<vmem>>) target_semaphore(%arg9 : memref<!tpu.dma_semaphore, #tpu.memory_space<semaphore_mem>>)
      %mul3A_71 = arith.constant 2 : i32
      %mul3A_72 = arith.muli %mul3A_71, %add3A_50 : i32
      %add3A_73 = arith.constant 1 : i32
      %add3A_74 = arith.addi %mul3A_72, %add3A_73 : i32
      %dma_start3A_75 = arith.constant 1 : i32
      %dma_start3A_76 = arith.constant 0 : i32
      %dma_start3A_77 = arith.constant 0 : i32
      %dma_start3A_78 = tpu.memref_slice %arg8[%dma_start3A_75, %dma_start3A_76, %dma_start3A_77] : memref<2x2x256xi32, #tpu.memory_space<vmem>> -> memref<1x2x256xi32, #tpu.memory_space<vmem>>
      %dma_start3A_79 = tpu.memref_squeeze %dma_start3A_78 : memref<1x2x256xi32, #tpu.memory_space<vmem>> -> memref<2x256xi32, #tpu.memory_space<vmem>>
      %dma_start3A_80 = arith.constant 0 : i32
      %dma_start3A_81 = arith.constant 0 : i32
      %dma_start3A_82 = tpu.memref_slice %arg3[%add3A, %add3A_74, %dma_start3A_80, %dma_start3A_81] : memref<32x62x2x256xi32, #tpu.memory_space<hbm>> -> memref<1x1x2x256xi32, #tpu.memory_space<hbm>>
      %dma_start3A_83 = tpu.memref_squeeze %dma_start3A_82 : memref<1x1x2x256xi32, #tpu.memory_space<hbm>> -> memref<2x256xi32, #tpu.memory_space<hbm>>
      %dma_start3A_84 = arith.constant 0 : i32
      %dma_start3A_85 = arith.constant 0 : i32
      %dma_start3A_86 = tpu.memref_slice %arg8[%dma_start3A_75, %dma_start3A_84, %dma_start3A_85] : memref<2x2x256xi32, #tpu.memory_space<vmem>> -> memref<1x2x256xi32, #tpu.memory_space<vmem>>
      %dma_start3A_87 = tpu.memref_squeeze %dma_start3A_86 : memref<1x2x256xi32, #tpu.memory_space<vmem>> -> memref<2x256xi32, #tpu.memory_space<vmem>>
      %dma_start3A_88 = arith.constant 0 : i32
      %dma_start3A_89 = arith.constant 0 : i32
      %dma_start3A_90 = tpu.memref_slice %arg3[%add3A, %add3A_74, %dma_start3A_88, %dma_start3A_89] : memref<32x62x2x256xi32, #tpu.memory_space<hbm>> -> memref<1x1x2x256xi32, #tpu.memory_space<hbm>>
      %dma_start3A_91 = tpu.memref_squeeze %dma_start3A_90 : memref<1x1x2x256xi32, #tpu.memory_space<hbm>> -> memref<2x256xi32, #tpu.memory_space<hbm>>
      tpu.enqueue_dma source(%dma_start3A_91 : memref<2x256xi32, #tpu.memory_space<hbm>>) target(%dma_start3A_87 : memref<2x256xi32, #tpu.memory_space<vmem>>) target_semaphore(%arg10 : memref<!tpu.dma_semaphore, #tpu.memory_space<semaphore_mem>>)
      %dma_wait3A = arith.constant 0 : i32
      %dma_wait3A_92 = arith.constant 0 : i32
      %dma_wait3A_93 = arith.constant 0 : i32
      %dma_wait3A_94 = tpu.memref_slice %arg8[%dma_wait3A, %dma_wait3A_92, %dma_wait3A_93] : memref<2x2x256xi32, #tpu.memory_space<vmem>> -> memref<1x2x256xi32, #tpu.memory_space<vmem>>
      %dma_wait3A_95 = tpu.memref_squeeze %dma_wait3A_94 : memref<1x2x256xi32, #tpu.memory_space<vmem>> -> memref<2x256xi32, #tpu.memory_space<vmem>>
      %dma_wait3A_96 = arith.constant 0 : i32
      %dma_wait3A_97 = arith.constant 0 : i32
      %dma_wait3A_98 = tpu.memref_slice %arg3[%add3A, %add3A_54, %dma_wait3A_96, %dma_wait3A_97] : memref<32x62x2x256xi32, #tpu.memory_space<hbm>> -> memref<1x1x2x256xi32, #tpu.memory_space<hbm>>
      %dma_wait3A_99 = tpu.memref_squeeze %dma_wait3A_98 : memref<1x1x2x256xi32, #tpu.memory_space<hbm>> -> memref<2x256xi32, #tpu.memory_space<hbm>>
      %dma_wait3A_100 = arith.constant 0 : i32
      %dma_wait3A_101 = arith.constant 0 : i32
      %dma_wait3A_102 = tpu.memref_slice %arg8[%dma_wait3A, %dma_wait3A_100, %dma_wait3A_101] : memref<2x2x256xi32, #tpu.memory_space<vmem>> -> memref<1x2x256xi32, #tpu.memory_space<vmem>>
      %dma_wait3A_103 = tpu.memref_squeeze %dma_wait3A_102 : memref<1x2x256xi32, #tpu.memory_space<vmem>> -> memref<2x256xi32, #tpu.memory_space<vmem>>
      %dma_wait3A_104 = arith.constant 0 : i32
      %dma_wait3A_105 = arith.constant 0 : i32
      %dma_wait3A_106 = tpu.memref_slice %arg3[%add3A, %add3A_54, %dma_wait3A_104, %dma_wait3A_105] : memref<32x62x2x256xi32, #tpu.memory_space<hbm>> -> memref<1x1x2x256xi32, #tpu.memory_space<hbm>>
      %dma_wait3A_107 = tpu.memref_squeeze %dma_wait3A_106 : memref<1x1x2x256xi32, #tpu.memory_space<hbm>> -> memref<2x256xi32, #tpu.memory_space<hbm>>
      tpu.wait_dma2 semaphore(%arg9 : memref<!tpu.dma_semaphore, #tpu.memory_space<semaphore_mem>>) src(%dma_wait3A_107 : memref<2x256xi32, #tpu.memory_space<hbm>>) dst(%dma_wait3A_103 : memref<2x256xi32, #tpu.memory_space<vmem>>)
      %dma_start3A_108 = arith.constant 0 : i32
      %dma_start3A_109 = arith.constant 0 : i32
      %dma_start3A_110 = arith.constant 0 : i32
      %dma_start3A_111 = arith.constant 0 : i32
      %dma_start3A_112 = arith.constant 0 : i32
      %dma_start3A_113 = tpu.memref_slice %arg7[%dma_start3A_110, %dma_start3A_111, %dma_start3A_112] : memref<2x256x128xbf16, #tpu.memory_space<vmem>> -> memref<1x256x128xbf16, #tpu.memory_space<vmem>>
      %dma_start3A_114 = tpu.memref_squeeze %dma_start3A_113 : memref<1x256x128xbf16, #tpu.memory_space<vmem>> -> memref<256x128xbf16, #tpu.memory_space<vmem>>
      %dma_start3A_115 = arith.constant 0 : i32
      %dma_start3A_116 = tpu.memref_slice %arg8[%dma_start3A_108, %dma_start3A_109, %dma_start3A_115] : memref<2x2x256xi32, #tpu.memory_space<vmem>> -> memref<1x1x256xi32, #tpu.memory_space<vmem>>
      %dma_start3A_117 = tpu.memref_squeeze %dma_start3A_116 : memref<1x1x256xi32, #tpu.memory_space<vmem>> -> memref<256xi32, #tpu.memory_space<vmem>>
      %dma_start3A_118 = arith.constant 0 : i32
      %dma_start3A_119 = arith.constant 0 : i32
      %dma_start3A_120 = tpu.memref_slice %arg2[%dma_start3A_118, %dma_start3A_119] : memref<16384x128xbf16, #tpu.memory_space<hbm>> -> memref<16384x128xbf16, #tpu.memory_space<hbm>>
      tpu.enqueue_indirect_dma source(%dma_start3A_120 : memref<16384x128xbf16, #tpu.memory_space<hbm>>) target(%dma_start3A_114 : memref<256x128xbf16, #tpu.memory_space<vmem>>) offsets(%dma_start3A_117 : memref<256xi32, #tpu.memory_space<vmem>>) semaphore(%arg11 : memref<!tpu.dma_semaphore, #tpu.memory_space<semaphore_mem>>)
      %dma_wait3A_121 = arith.constant 1 : i32
      %dma_wait3A_122 = arith.constant 0 : i32
      %dma_wait3A_123 = arith.constant 0 : i32
      %dma_wait3A_124 = tpu.memref_slice %arg8[%dma_wait3A_121, %dma_wait3A_122, %dma_wait3A_123] : memref<2x2x256xi32, #tpu.memory_space<vmem>> -> memref<1x2x256xi32, #tpu.memory_space<vmem>>
      %dma_wait3A_125 = tpu.memref_squeeze %dma_wait3A_124 : memref<1x2x256xi32, #tpu.memory_space<vmem>> -> memref<2x256xi32, #tpu.memory_space<vmem>>
      %dma_wait3A_126 = arith.constant 0 : i32
      %dma_wait3A_127 = arith.constant 0 : i32
      %dma_wait3A_128 = tpu.memref_slice %arg3[%add3A, %add3A_74, %dma_wait3A_126, %dma_wait3A_127] : memref<32x62x2x256xi32, #tpu.memory_space<hbm>> -> memref<1x1x2x256xi32, #tpu.memory_space<hbm>>
      %dma_wait3A_129 = tpu.memref_squeeze %dma_wait3A_128 : memref<1x1x2x256xi32, #tpu.memory_space<hbm>> -> memref<2x256xi32, #tpu.memory_space<hbm>>
      %dma_wait3A_130 = arith.constant 0 : i32
      %dma_wait3A_131 = arith.constant 0 : i32
      %dma_wait3A_132 = tpu.memref_slice %arg8[%dma_wait3A_121, %dma_wait3A_130, %dma_wait3A_131] : memref<2x2x256xi32, #tpu.memory_space<vmem>> -> memref<1x2x256xi32, #tpu.memory_space<vmem>>
      %dma_wait3A_133 = tpu.memref_squeeze %dma_wait3A_132 : memref<1x2x256xi32, #tpu.memory_space<vmem>> -> memref<2x256xi32, #tpu.memory_space<vmem>>
      %dma_wait3A_134 = arith.constant 0 : i32
      %dma_wait3A_135 = arith.constant 0 : i32
      %dma_wait3A_136 = tpu.memref_slice %arg3[%add3A, %add3A_74, %dma_wait3A_134, %dma_wait3A_135] : memref<32x62x2x256xi32, #tpu.memory_space<hbm>> -> memref<1x1x2x256xi32, #tpu.memory_space<hbm>>
      %dma_wait3A_137 = tpu.memref_squeeze %dma_wait3A_136 : memref<1x1x2x256xi32, #tpu.memory_space<hbm>> -> memref<2x256xi32, #tpu.memory_space<hbm>>
      tpu.wait_dma2 semaphore(%arg10 : memref<!tpu.dma_semaphore, #tpu.memory_space<semaphore_mem>>) src(%dma_wait3A_137 : memref<2x256xi32, #tpu.memory_space<hbm>>) dst(%dma_wait3A_133 : memref<2x256xi32, #tpu.memory_space<vmem>>)
      %dma_start3A_138 = arith.constant 1 : i32
      %dma_start3A_139 = arith.constant 0 : i32
      %dma_start3A_140 = arith.constant 1 : i32
      %dma_start3A_141 = arith.constant 0 : i32
      %dma_start3A_142 = arith.constant 0 : i32
      %dma_start3A_143 = tpu.memref_slice %arg7[%dma_start3A_140, %dma_start3A_141, %dma_start3A_142] : memref<2x256x128xbf16, #tpu.memory_space<vmem>> -> memref<1x256x128xbf16, #tpu.memory_space<vmem>>
      %dma_start3A_144 = tpu.memref_squeeze %dma_start3A_143 : memref<1x256x128xbf16, #tpu.memory_space<vmem>> -> memref<256x128xbf16, #tpu.memory_space<vmem>>
      %dma_start3A_145 = arith.constant 0 : i32
      %dma_start3A_146 = tpu.memref_slice %arg8[%dma_start3A_138, %dma_start3A_139, %dma_start3A_145] : memref<2x2x256xi32, #tpu.memory_space<vmem>> -> memref<1x1x256xi32, #tpu.memory_space<vmem>>
      %dma_start3A_147 = tpu.memref_squeeze %dma_start3A_146 : memref<1x1x256xi32, #tpu.memory_space<vmem>> -> memref<256xi32, #tpu.memory_space<vmem>>
      %dma_start3A_148 = arith.constant 0 : i32
      %dma_start3A_149 = arith.constant 0 : i32
      %dma_start3A_150 = tpu.memref_slice %arg2[%dma_start3A_148, %dma_start3A_149] : memref<16384x128xbf16, #tpu.memory_space<hbm>> -> memref<16384x128xbf16, #tpu.memory_space<hbm>>
      tpu.enqueue_indirect_dma source(%dma_start3A_150 : memref<16384x128xbf16, #tpu.memory_space<hbm>>) target(%dma_start3A_144 : memref<256x128xbf16, #tpu.memory_space<vmem>>) offsets(%dma_start3A_147 : memref<256xi32, #tpu.memory_space<vmem>>) semaphore(%arg12 : memref<!tpu.dma_semaphore, #tpu.memory_space<semaphore_mem>>)
      %dma_wait3A_151 = arith.constant 0 : i32
      %dma_wait3A_152 = arith.constant 0 : i32
      %dma_wait3A_153 = arith.constant 0 : i32
      %dma_wait3A_154 = arith.constant 0 : i32
      %dma_wait3A_155 = arith.constant 0 : i32
      %dma_wait3A_156 = tpu.memref_slice %arg7[%dma_wait3A_153, %dma_wait3A_154, %dma_wait3A_155] : memref<2x256x128xbf16, #tpu.memory_space<vmem>> -> memref<1x256x128xbf16, #tpu.memory_space<vmem>>
      %dma_wait3A_157 = tpu.memref_squeeze %dma_wait3A_156 : memref<1x256x128xbf16, #tpu.memory_space<vmem>> -> memref<256x128xbf16, #tpu.memory_space<vmem>>
      %dma_wait3A_158 = arith.constant 0 : i32
      %dma_wait3A_159 = tpu.memref_slice %arg8[%dma_wait3A_151, %dma_wait3A_152, %dma_wait3A_158] : memref<2x2x256xi32, #tpu.memory_space<vmem>> -> memref<1x1x256xi32, #tpu.memory_space<vmem>>
      %dma_wait3A_160 = tpu.memref_squeeze %dma_wait3A_159 : memref<1x1x256xi32, #tpu.memory_space<vmem>> -> memref<256xi32, #tpu.memory_space<vmem>>
      %dma_wait3A_161 = arith.constant 0 : i32
      %dma_wait3A_162 = arith.constant 0 : i32
      %dma_wait3A_163 = tpu.memref_slice %arg2[%dma_wait3A_161, %dma_wait3A_162] : memref<16384x128xbf16, #tpu.memory_space<hbm>> -> memref<16384x128xbf16, #tpu.memory_space<hbm>>
      tpu.wait_indirect_dma semaphore(%arg11 : memref<!tpu.dma_semaphore, #tpu.memory_space<semaphore_mem>>) src(%dma_wait3A_163 : memref<16384x128xbf16, #tpu.memory_space<hbm>>) dst(%dma_wait3A_157 : memref<256x128xbf16, #tpu.memory_space<vmem>>)
      %dma_start3A_164 = arith.constant 0 : i32
      %dma_start3A_165 = arith.constant 0 : i32
      %dma_start3A_166 = arith.constant 1 : i32
      %dma_start3A_167 = arith.constant 0 : i32
      %dma_start3A_168 = arith.constant 0 : i32
      %dma_start3A_169 = tpu.memref_slice %arg7[%dma_start3A_164, %dma_start3A_167, %dma_start3A_168] : memref<2x256x128xbf16, #tpu.memory_space<vmem>> -> memref<1x256x128xbf16, #tpu.memory_space<vmem>>
      %dma_start3A_170 = tpu.memref_squeeze %dma_start3A_169 : memref<1x256x128xbf16, #tpu.memory_space<vmem>> -> memref<256x128xbf16, #tpu.memory_space<vmem>>
      %dma_start3A_171 = arith.constant 0 : i32
      %dma_start3A_172 = tpu.memref_slice %arg8[%dma_start3A_165, %dma_start3A_166, %dma_start3A_171] : memref<2x2x256xi32, #tpu.memory_space<vmem>> -> memref<1x1x256xi32, #tpu.memory_space<vmem>>
      %dma_start3A_173 = tpu.memref_squeeze %dma_start3A_172 : memref<1x1x256xi32, #tpu.memory_space<vmem>> -> memref<256xi32, #tpu.memory_space<vmem>>
      %dma_start3A_174 = arith.constant 0 : i32
      %dma_start3A_175 = arith.constant 0 : i32
      %dma_start3A_176 = tpu.memref_slice %arg6[%dma_start3A_174, %dma_start3A_175] : memref<16384x128xbf16, #tpu.memory_space<vmem_shared>> -> memref<16384x128xbf16, #tpu.memory_space<vmem_shared>>
      tpu.enqueue_indirect_dma source(%dma_start3A_170 : memref<256x128xbf16, #tpu.memory_space<vmem>>) target(%dma_start3A_176 : memref<16384x128xbf16, #tpu.memory_space<vmem_shared>>) offsets(%dma_start3A_173 : memref<256xi32, #tpu.memory_space<vmem>>) semaphore(%arg13 : memref<!tpu.dma_semaphore, #tpu.memory_space<semaphore_mem>>) {add = true}
      %dma_wait3A_177 = arith.constant 1 : i32
      %dma_wait3A_178 = arith.constant 0 : i32
      %dma_wait3A_179 = arith.constant 1 : i32
      %dma_wait3A_180 = arith.constant 0 : i32
      %dma_wait3A_181 = arith.constant 0 : i32
      %dma_wait3A_182 = tpu.memref_slice %arg7[%dma_wait3A_179, %dma_wait3A_180, %dma_wait3A_181] : memref<2x256x128xbf16, #tpu.memory_space<vmem>> -> memref<1x256x128xbf16, #tpu.memory_space<vmem>>
      %dma_wait3A_183 = tpu.memref_squeeze %dma_wait3A_182 : memref<1x256x128xbf16, #tpu.memory_space<vmem>> -> memref<256x128xbf16, #tpu.memory_space<vmem>>
      %dma_wait3A_184 = arith.constant 0 : i32
      %dma_wait3A_185 = tpu.memref_slice %arg8[%dma_wait3A_177, %dma_wait3A_178, %dma_wait3A_184] : memref<2x2x256xi32, #tpu.memory_space<vmem>> -> memref<1x1x256xi32, #tpu.memory_space<vmem>>
      %dma_wait3A_186 = tpu.memref_squeeze %dma_wait3A_185 : memref<1x1x256xi32, #tpu.memory_space<vmem>> -> memref<256xi32, #tpu.memory_space<vmem>>
      %dma_wait3A_187 = arith.constant 0 : i32
      %dma_wait3A_188 = arith.constant 0 : i32
      %dma_wait3A_189 = tpu.memref_slice %arg2[%dma_wait3A_187, %dma_wait3A_188] : memref<16384x128xbf16, #tpu.memory_space<hbm>> -> memref<16384x128xbf16, #tpu.memory_space<hbm>>
      tpu.wait_indirect_dma semaphore(%arg12 : memref<!tpu.dma_semaphore, #tpu.memory_space<semaphore_mem>>) src(%dma_wait3A_189 : memref<16384x128xbf16, #tpu.memory_space<hbm>>) dst(%dma_wait3A_183 : memref<256x128xbf16, #tpu.memory_space<vmem>>)
      %dma_start3A_190 = arith.constant 1 : i32
      %dma_start3A_191 = arith.constant 1 : i32
      %dma_start3A_192 = arith.constant 1 : i32
      %dma_start3A_193 = arith.constant 0 : i32
      %dma_start3A_194 = arith.constant 0 : i32
      %dma_start3A_195 = tpu.memref_slice %arg7[%dma_start3A_190, %dma_start3A_193, %dma_start3A_194] : memref<2x256x128xbf16, #tpu.memory_space<vmem>> -> memref<1x256x128xbf16, #tpu.memory_space<vmem>>
      %dma_start3A_196 = tpu.memref_squeeze %dma_start3A_195 : memref<1x256x128xbf16, #tpu.memory_space<vmem>> -> memref<256x128xbf16, #tpu.memory_space<vmem>>
      %dma_start3A_197 = arith.constant 0 : i32
      %dma_start3A_198 = tpu.memref_slice %arg8[%dma_start3A_191, %dma_start3A_192, %dma_start3A_197] : memref<2x2x256xi32, #tpu.memory_space<vmem>> -> memref<1x1x256xi32, #tpu.memory_space<vmem>>
      %dma_start3A_199 = tpu.memref_squeeze %dma_start3A_198 : memref<1x1x256xi32, #tpu.memory_space<vmem>> -> memref<256xi32, #tpu.memory_space<vmem>>
      %dma_start3A_200 = arith.constant 0 : i32
      %dma_start3A_201 = arith.constant 0 : i32
      %dma_start3A_202 = tpu.memref_slice %arg6[%dma_start3A_200, %dma_start3A_201] : memref<16384x128xbf16, #tpu.memory_space<vmem_shared>> -> memref<16384x128xbf16, #tpu.memory_space<vmem_shared>>
      tpu.enqueue_indirect_dma source(%dma_start3A_196 : memref<256x128xbf16, #tpu.memory_space<vmem>>) target(%dma_start3A_202 : memref<16384x128xbf16, #tpu.memory_space<vmem_shared>>) offsets(%dma_start3A_199 : memref<256xi32, #tpu.memory_space<vmem>>) semaphore(%arg14 : memref<!tpu.dma_semaphore, #tpu.memory_space<semaphore_mem>>) {add = true}
      %dma_wait3A_203 = arith.constant 0 : i32
      %dma_wait3A_204 = arith.constant 0 : i32
      %dma_wait3A_205 = arith.constant 1 : i32
      %dma_wait3A_206 = arith.constant 0 : i32
      %dma_wait3A_207 = arith.constant 0 : i32
      %dma_wait3A_208 = tpu.memref_slice %arg7[%dma_wait3A_203, %dma_wait3A_206, %dma_wait3A_207] : memref<2x256x128xbf16, #tpu.memory_space<vmem>> -> memref<1x256x128xbf16, #tpu.memory_space<vmem>>
      %dma_wait3A_209 = tpu.memref_squeeze %dma_wait3A_208 : memref<1x256x128xbf16, #tpu.memory_space<vmem>> -> memref<256x128xbf16, #tpu.memory_space<vmem>>
      %dma_wait3A_210 = arith.constant 0 : i32
      %dma_wait3A_211 = tpu.memref_slice %arg8[%dma_wait3A_204, %dma_wait3A_205, %dma_wait3A_210] : memref<2x2x256xi32, #tpu.memory_space<vmem>> -> memref<1x1x256xi32, #tpu.memory_space<vmem>>
      %dma_wait3A_212 = tpu.memref_squeeze %dma_wait3A_211 : memref<1x1x256xi32, #tpu.memory_space<vmem>> -> memref<256xi32, #tpu.memory_space<vmem>>
      %dma_wait3A_213 = arith.constant 0 : i32
      %dma_wait3A_214 = arith.constant 0 : i32
      %dma_wait3A_215 = tpu.memref_slice %arg6[%dma_wait3A_213, %dma_wait3A_214] : memref<16384x128xbf16, #tpu.memory_space<vmem_shared>> -> memref<16384x128xbf16, #tpu.memory_space<vmem_shared>>
      tpu.wait_indirect_dma semaphore(%arg13 : memref<!tpu.dma_semaphore, #tpu.memory_space<semaphore_mem>>) src(%dma_wait3A_209 : memref<256x128xbf16, #tpu.memory_space<vmem>>) dst(%dma_wait3A_215 : memref<16384x128xbf16, #tpu.memory_space<vmem_shared>>)
      %dma_wait3A_216 = arith.constant 1 : i32
      %dma_wait3A_217 = arith.constant 1 : i32
      %dma_wait3A_218 = arith.constant 1 : i32
      %dma_wait3A_219 = arith.constant 0 : i32
      %dma_wait3A_220 = arith.constant 0 : i32
      %dma_wait3A_221 = tpu.memref_slice %arg7[%dma_wait3A_216, %dma_wait3A_219, %dma_wait3A_220] : memref<2x256x128xbf16, #tpu.memory_space<vmem>> -> memref<1x256x128xbf16, #tpu.memory_space<vmem>>
      %dma_wait3A_222 = tpu.memref_squeeze %dma_wait3A_221 : memref<1x256x128xbf16, #tpu.memory_space<vmem>> -> memref<256x128xbf16, #tpu.memory_space<vmem>>
      %dma_wait3A_223 = arith.constant 0 : i32
      %dma_wait3A_224 = tpu.memref_slice %arg8[%dma_wait3A_217, %dma_wait3A_218, %dma_wait3A_223] : memref<2x2x256xi32, #tpu.memory_space<vmem>> -> memref<1x1x256xi32, #tpu.memory_space<vmem>>
      %dma_wait3A_225 = tpu.memref_squeeze %dma_wait3A_224 : memref<1x1x256xi32, #tpu.memory_space<vmem>> -> memref<256xi32, #tpu.memory_space<vmem>>
      %dma_wait3A_226 = arith.constant 0 : i32
      %dma_wait3A_227 = arith.constant 0 : i32
      %dma_wait3A_228 = tpu.memref_slice %arg6[%dma_wait3A_226, %dma_wait3A_227] : memref<16384x128xbf16, #tpu.memory_space<vmem_shared>> -> memref<16384x128xbf16, #tpu.memory_space<vmem_shared>>
      tpu.wait_indirect_dma semaphore(%arg14 : memref<!tpu.dma_semaphore, #tpu.memory_space<semaphore_mem>>) src(%dma_wait3A_222 : memref<256x128xbf16, #tpu.memory_space<vmem>>) dst(%dma_wait3A_228 : memref<16384x128xbf16, #tpu.memory_space<vmem_shared>>)
    }
    %barrier3A_43 = arith.constant 0 : index
    tpu.barrier barrier_id(%barrier3A_43)
    %mul3A_44 = arith.constant 1024 : i32
    %mul3A_45 = arith.muli %arg1, %mul3A_44 : i32
    %mul3A_46 = arith.constant 1024 : i32
    %mul3A_47 = arith.muli %arg1, %mul3A_46 : i32
    "tpu.region"() ({
      %run_scoped3A = tpu.sem_alloc : memref<!tpu.dma_semaphore, #tpu.memory_space<semaphore_mem>>
      %dma_start3A = arith.constant 0 : i32
      %dma_start3A_48 = tpu.memref_slice %arg5[%arg0, %mul3A_47, %dma_start3A] : memref<2x16384x128xbf16, #tpu.memory_space<hbm>> -> memref<1x1024x128xbf16, #tpu.memory_space<hbm>>
      %dma_start3A_49 = tpu.memref_squeeze %dma_start3A_48 : memref<1x1024x128xbf16, #tpu.memory_space<hbm>> -> memref<1024x128xbf16, #tpu.memory_space<hbm>>
      %dma_start3A_50 = arith.constant 0 : i32
      %dma_start3A_51 = tpu.memref_slice %arg6[%mul3A_45, %dma_start3A_50] : memref<16384x128xbf16, #tpu.memory_space<vmem_shared>> -> memref<1024x128xbf16, #tpu.memory_space<vmem_shared>>
      tpu.enqueue_dma source(%dma_start3A_51 : memref<1024x128xbf16, #tpu.memory_space<vmem_shared>>) target(%dma_start3A_49 : memref<1024x128xbf16, #tpu.memory_space<hbm>>) target_semaphore(%run_scoped3A : memref<!tpu.dma_semaphore, #tpu.memory_space<semaphore_mem>>)
      %dma_wait3A = arith.constant 0 : i32
      %dma_wait3A_52 = tpu.memref_slice %arg5[%arg0, %mul3A_47, %dma_wait3A] : memref<2x16384x128xbf16, #tpu.memory_space<hbm>> -> memref<1x1024x128xbf16, #tpu.memory_space<hbm>>
      %dma_wait3A_53 = tpu.memref_squeeze %dma_wait3A_52 : memref<1x1024x128xbf16, #tpu.memory_space<hbm>> -> memref<1024x128xbf16, #tpu.memory_space<hbm>>
      %dma_wait3A_54 = arith.constant 0 : i32
      %dma_wait3A_55 = tpu.memref_slice %arg6[%mul3A_45, %dma_wait3A_54] : memref<16384x128xbf16, #tpu.memory_space<vmem_shared>> -> memref<1024x128xbf16, #tpu.memory_space<vmem_shared>>
      tpu.wait_dma2 semaphore(%run_scoped3A : memref<!tpu.dma_semaphore, #tpu.memory_space<semaphore_mem>>) src(%dma_wait3A_55 : memref<1024x128xbf16, #tpu.memory_space<vmem_shared>>) dst(%dma_wait3A_53 : memref<1024x128xbf16, #tpu.memory_space<hbm>>)
      tpu.yield
    }) : () -> ()
    return
  }
}

#map = affine_map<(d0, d1) -> (0, 0)>
#map1 = affine_map<(d0, d1) -> (0, 0, 0, 0)>
#map2 = affine_map<(d0, d1) -> (0, 0, 0)>
module attributes {stable_mosaic.version = 14 : i64} {
  func.func @agg_kernel(%arg0: i32, %arg1: i32, %arg2: memref<16384x64xbf16, #tpu.memory_space<hbm>>, %arg3: memref<32x62x2x256xi32, #tpu.memory_space<hbm>>, %arg4: memref<16384x64xbf16, #tpu.memory_space<hbm>>, %arg5: memref<2x16384x64xbf16, #tpu.memory_space<hbm>>, %arg6: memref<16384x64xbf16, #tpu.memory_space<vmem_shared>>, %arg7: memref<2x256x64xbf16, #tpu.memory_space<vmem>>, %arg8: memref<2x2x256xi32, #tpu.memory_space<vmem>>, %arg9: memref<!tpu.dma_semaphore, #tpu.memory_space<semaphore_mem>>, %arg10: memref<!tpu.dma_semaphore, #tpu.memory_space<semaphore_mem>>, %arg11: memref<!tpu.dma_semaphore, #tpu.memory_space<semaphore_mem>>, %arg12: memref<!tpu.dma_semaphore, #tpu.memory_space<semaphore_mem>>, %arg13: memref<!tpu.dma_semaphore, #tpu.memory_space<semaphore_mem>>, %arg14: memref<!tpu.dma_semaphore, #tpu.memory_space<semaphore_mem>>) attributes {dimension_semantics = [#tpu.dimension_semantics<core_parallel>, #tpu.dimension_semantics<subcore_parallel>], iteration_bounds = array<i64: 2, 16>, scalar_prefetch = 0 : i64, scratch_operands = 9 : i64, tpu.core_type = #tpu.core_type<sc_vector_subcore>, window_params = [{transform_indices = #map}, {transform_indices = #map1}, {transform_indices = #map}, {transform_indices = #map2}]} {
    %mul3A = arith.constant 16 : i32
    %mul3A_0 = arith.muli %arg0, %mul3A : i32
    %add3A = arith.addi %mul3A_0, %arg1 : i32
    %eq3A = arith.constant 0 : i32
    %eq3A_1 = arith.cmpi eq, %arg0, %eq3A : i32
    %jit3A = arith.constant 18 : i32
    %jit3A_2 = arith.constant 62 : i32
    %select_n3A = arith.select %eq3A_1, %jit3A, %jit3A_2 : i32
    %mul3A_3 = arith.constant 1024 : i32
    %mul3A_4 = arith.muli %arg1, %mul3A_3 : i32
    %mul3A_5 = arith.constant 1024 : i32
    %mul3A_6 = arith.muli %arg1, %mul3A_5 : i32
    "tpu.region"() ({
      %run_scoped3A = tpu.sem_alloc : memref<!tpu.dma_semaphore, #tpu.memory_space<semaphore_mem>>
      %dma_start3A = arith.constant 0 : i32
      %dma_start3A_48 = tpu.memref_slice %arg6[%mul3A_6, %dma_start3A] : memref<16384x64xbf16, #tpu.memory_space<vmem_shared>> -> memref<1024x64xbf16, #tpu.memory_space<vmem_shared>>
      %dma_start3A_49 = arith.constant 0 : i32
      %dma_start3A_50 = tpu.memref_slice %arg4[%mul3A_4, %dma_start3A_49] : memref<16384x64xbf16, #tpu.memory_space<hbm>> -> memref<1024x64xbf16, #tpu.memory_space<hbm>>
      tpu.enqueue_dma source(%dma_start3A_50 : memref<1024x64xbf16, #tpu.memory_space<hbm>>) target(%dma_start3A_48 : memref<1024x64xbf16, #tpu.memory_space<vmem_shared>>) target_semaphore(%run_scoped3A : memref<!tpu.dma_semaphore, #tpu.memory_space<semaphore_mem>>)
      %dma_wait3A = arith.constant 0 : i32
      %dma_wait3A_51 = tpu.memref_slice %arg6[%mul3A_6, %dma_wait3A] : memref<16384x64xbf16, #tpu.memory_space<vmem_shared>> -> memref<1024x64xbf16, #tpu.memory_space<vmem_shared>>
      %dma_wait3A_52 = arith.constant 0 : i32
      %dma_wait3A_53 = tpu.memref_slice %arg4[%mul3A_4, %dma_wait3A_52] : memref<16384x64xbf16, #tpu.memory_space<hbm>> -> memref<1024x64xbf16, #tpu.memory_space<hbm>>
      tpu.wait_dma2 semaphore(%run_scoped3A : memref<!tpu.dma_semaphore, #tpu.memory_space<semaphore_mem>>) src(%dma_wait3A_53 : memref<1024x64xbf16, #tpu.memory_space<hbm>>) dst(%dma_wait3A_51 : memref<1024x64xbf16, #tpu.memory_space<vmem_shared>>)
      tpu.yield
    }) : () -> ()
    %barrier3A = arith.constant 0 : index
    tpu.barrier barrier_id(%barrier3A)
    %jit3A_7 = arith.constant 2 : i32
    %div3A = arith.divsi %select_n3A, %jit3A_7 : i32
    %sign3A = arith.constant 0 : i32
    %sign3A_8 = arith.cmpi sgt, %select_n3A, %sign3A : i32
    %sign3A_9 = arith.extui %sign3A_8 : i1 to i32
    %sign3A_10 = arith.constant 0 : i32
    %sign3A_11 = arith.cmpi slt, %select_n3A, %sign3A_10 : i32
    %sign3A_12 = arith.extui %sign3A_11 : i1 to i32
    %sign3A_13 = arith.subi %sign3A_9, %sign3A_12 : i32
    %sign3A_14 = arith.constant 0 : i32
    %sign3A_15 = arith.cmpi sgt, %jit3A_7, %sign3A_14 : i32
    %sign3A_16 = arith.extui %sign3A_15 : i1 to i32
    %sign3A_17 = arith.constant 0 : i32
    %sign3A_18 = arith.cmpi slt, %jit3A_7, %sign3A_17 : i32
    %sign3A_19 = arith.extui %sign3A_18 : i1 to i32
    %sign3A_20 = arith.subi %sign3A_16, %sign3A_19 : i32
    %ne3A = arith.cmpi ne, %sign3A_13, %sign3A_20 : i32
    %rem3A = arith.remsi %select_n3A, %jit3A_7 : i32
    %ne3A_21 = arith.constant 0 : i32
    %ne3A_22 = arith.cmpi ne, %rem3A, %ne3A_21 : i32
    %and3A = arith.andi %ne3A, %ne3A_22 : i1
    %sub3A = arith.constant 1 : i32
    %sub3A_23 = arith.subi %div3A, %sub3A : i32
    %select_n3A_24 = arith.select %and3A, %sub3A_23, %div3A : i32
    %sub3A_25 = arith.constant 0 : i32
    %sub3A_26 = arith.subi %select_n3A_24, %sub3A_25 : i32
    %sub3A_27 = arith.constant 1 : i32
    %sub3A_28 = arith.constant 1 : i32
    %sub3A_29 = arith.subi %sub3A_27, %sub3A_28 : i32
    %add3A_30 = arith.addi %sub3A_26, %sub3A_29 : i32
    %div3A_31 = arith.constant 1 : i32
    %div3A_32 = arith.divsi %add3A_30, %div3A_31 : i32
    %while3A = arith.constant 1 : i32
    %while3A_33 = arith.constant 0 : i32
    %while3A_34 = arith.constant 0 : i32
    %while3A_35 = arith.subi %div3A_32, %while3A_34 : i32
    %while3A_36 = arith.addi %while3A_34, %while3A_35 : i32
    %while3A_37 = arith.constant 1 : i32
    %while3A_38 = arith.divsi %while3A_35, %while3A_37 : i32
    %while3A_39 = arith.muli %while3A_38, %while3A_37 : i32
    %while3A_40 = arith.addi %while3A_34, %while3A_39 : i32
    %while3A_41 = arith.constant 1 : i32
    scf.for %while3A_48 = %while3A_34 to %while3A_40 step %while3A_41  : i32 {
      %mul3A_49 = arith.muli %while3A_48, %while3A : i32
      %add3A_50 = arith.addi %while3A_33, %mul3A_49 : i32
      %mul3A_51 = arith.constant 2 : i32
      %mul3A_52 = arith.muli %mul3A_51, %add3A_50 : i32
      %add3A_53 = arith.constant 0 : i32
      %add3A_54 = arith.addi %mul3A_52, %add3A_53 : i32
      %dma_start3A = arith.constant 0 : i32
      %dma_start3A_55 = arith.constant 0 : i32
      %dma_start3A_56 = arith.constant 0 : i32
      %dma_start3A_57 = tpu.memref_slice %arg8[%dma_start3A, %dma_start3A_55, %dma_start3A_56] : memref<2x2x256xi32, #tpu.memory_space<vmem>> -> memref<1x2x256xi32, #tpu.memory_space<vmem>>
      %dma_start3A_58 = tpu.memref_squeeze %dma_start3A_57 : memref<1x2x256xi32, #tpu.memory_space<vmem>> -> memref<2x256xi32, #tpu.memory_space<vmem>>
      %dma_start3A_59 = arith.constant 0 : i32
      %dma_start3A_60 = arith.constant 0 : i32
      %dma_start3A_61 = tpu.memref_slice %arg3[%add3A, %add3A_54, %dma_start3A_59, %dma_start3A_60] : memref<32x62x2x256xi32, #tpu.memory_space<hbm>> -> memref<1x1x2x256xi32, #tpu.memory_space<hbm>>
      %dma_start3A_62 = tpu.memref_squeeze %dma_start3A_61 : memref<1x1x2x256xi32, #tpu.memory_space<hbm>> -> memref<2x256xi32, #tpu.memory_space<hbm>>
      %dma_start3A_63 = arith.constant 0 : i32
      %dma_start3A_64 = arith.constant 0 : i32
      %dma_start3A_65 = tpu.memref_slice %arg8[%dma_start3A, %dma_start3A_63, %dma_start3A_64] : memref<2x2x256xi32, #tpu.memory_space<vmem>> -> memref<1x2x256xi32, #tpu.memory_space<vmem>>
      %dma_start3A_66 = tpu.memref_squeeze %dma_start3A_65 : memref<1x2x256xi32, #tpu.memory_space<vmem>> -> memref<2x256xi32, #tpu.memory_space<vmem>>
      %dma_start3A_67 = arith.constant 0 : i32
      %dma_start3A_68 = arith.constant 0 : i32
      %dma_start3A_69 = tpu.memref_slice %arg3[%add3A, %add3A_54, %dma_start3A_67, %dma_start3A_68] : memref<32x62x2x256xi32, #tpu.memory_space<hbm>> -> memref<1x1x2x256xi32, #tpu.memory_space<hbm>>
      %dma_start3A_70 = tpu.memref_squeeze %dma_start3A_69 : memref<1x1x2x256xi32, #tpu.memory_space<hbm>> -> memref<2x256xi32, #tpu.memory_space<hbm>>
      tpu.enqueue_dma source(%dma_start3A_70 : memref<2x256xi32, #tpu.memory_space<hbm>>) target(%dma_start3A_66 : memref<2x256xi32, #tpu.memory_space<vmem>>) target_semaphore(%arg9 : memref<!tpu.dma_semaphore, #tpu.memory_space<semaphore_mem>>)
      %mul3A_71 = arith.constant 2 : i32
      %mul3A_72 = arith.muli %mul3A_71, %add3A_50 : i32
      %add3A_73 = arith.constant 1 : i32
      %add3A_74 = arith.addi %mul3A_72, %add3A_73 : i32
      %dma_start3A_75 = arith.constant 1 : i32
      %dma_start3A_76 = arith.constant 0 : i32
      %dma_start3A_77 = arith.constant 0 : i32
      %dma_start3A_78 = tpu.memref_slice %arg8[%dma_start3A_75, %dma_start3A_76, %dma_start3A_77] : memref<2x2x256xi32, #tpu.memory_space<vmem>> -> memref<1x2x256xi32, #tpu.memory_space<vmem>>
      %dma_start3A_79 = tpu.memref_squeeze %dma_start3A_78 : memref<1x2x256xi32, #tpu.memory_space<vmem>> -> memref<2x256xi32, #tpu.memory_space<vmem>>
      %dma_start3A_80 = arith.constant 0 : i32
      %dma_start3A_81 = arith.constant 0 : i32
      %dma_start3A_82 = tpu.memref_slice %arg3[%add3A, %add3A_74, %dma_start3A_80, %dma_start3A_81] : memref<32x62x2x256xi32, #tpu.memory_space<hbm>> -> memref<1x1x2x256xi32, #tpu.memory_space<hbm>>
      %dma_start3A_83 = tpu.memref_squeeze %dma_start3A_82 : memref<1x1x2x256xi32, #tpu.memory_space<hbm>> -> memref<2x256xi32, #tpu.memory_space<hbm>>
      %dma_start3A_84 = arith.constant 0 : i32
      %dma_start3A_85 = arith.constant 0 : i32
      %dma_start3A_86 = tpu.memref_slice %arg8[%dma_start3A_75, %dma_start3A_84, %dma_start3A_85] : memref<2x2x256xi32, #tpu.memory_space<vmem>> -> memref<1x2x256xi32, #tpu.memory_space<vmem>>
      %dma_start3A_87 = tpu.memref_squeeze %dma_start3A_86 : memref<1x2x256xi32, #tpu.memory_space<vmem>> -> memref<2x256xi32, #tpu.memory_space<vmem>>
      %dma_start3A_88 = arith.constant 0 : i32
      %dma_start3A_89 = arith.constant 0 : i32
      %dma_start3A_90 = tpu.memref_slice %arg3[%add3A, %add3A_74, %dma_start3A_88, %dma_start3A_89] : memref<32x62x2x256xi32, #tpu.memory_space<hbm>> -> memref<1x1x2x256xi32, #tpu.memory_space<hbm>>
      %dma_start3A_91 = tpu.memref_squeeze %dma_start3A_90 : memref<1x1x2x256xi32, #tpu.memory_space<hbm>> -> memref<2x256xi32, #tpu.memory_space<hbm>>
      tpu.enqueue_dma source(%dma_start3A_91 : memref<2x256xi32, #tpu.memory_space<hbm>>) target(%dma_start3A_87 : memref<2x256xi32, #tpu.memory_space<vmem>>) target_semaphore(%arg10 : memref<!tpu.dma_semaphore, #tpu.memory_space<semaphore_mem>>)
      %dma_wait3A = arith.constant 0 : i32
      %dma_wait3A_92 = arith.constant 0 : i32
      %dma_wait3A_93 = arith.constant 0 : i32
      %dma_wait3A_94 = tpu.memref_slice %arg8[%dma_wait3A, %dma_wait3A_92, %dma_wait3A_93] : memref<2x2x256xi32, #tpu.memory_space<vmem>> -> memref<1x2x256xi32, #tpu.memory_space<vmem>>
      %dma_wait3A_95 = tpu.memref_squeeze %dma_wait3A_94 : memref<1x2x256xi32, #tpu.memory_space<vmem>> -> memref<2x256xi32, #tpu.memory_space<vmem>>
      %dma_wait3A_96 = arith.constant 0 : i32
      %dma_wait3A_97 = arith.constant 0 : i32
      %dma_wait3A_98 = tpu.memref_slice %arg3[%add3A, %add3A_54, %dma_wait3A_96, %dma_wait3A_97] : memref<32x62x2x256xi32, #tpu.memory_space<hbm>> -> memref<1x1x2x256xi32, #tpu.memory_space<hbm>>
      %dma_wait3A_99 = tpu.memref_squeeze %dma_wait3A_98 : memref<1x1x2x256xi32, #tpu.memory_space<hbm>> -> memref<2x256xi32, #tpu.memory_space<hbm>>
      %dma_wait3A_100 = arith.constant 0 : i32
      %dma_wait3A_101 = arith.constant 0 : i32
      %dma_wait3A_102 = tpu.memref_slice %arg8[%dma_wait3A, %dma_wait3A_100, %dma_wait3A_101] : memref<2x2x256xi32, #tpu.memory_space<vmem>> -> memref<1x2x256xi32, #tpu.memory_space<vmem>>
      %dma_wait3A_103 = tpu.memref_squeeze %dma_wait3A_102 : memref<1x2x256xi32, #tpu.memory_space<vmem>> -> memref<2x256xi32, #tpu.memory_space<vmem>>
      %dma_wait3A_104 = arith.constant 0 : i32
      %dma_wait3A_105 = arith.constant 0 : i32
      %dma_wait3A_106 = tpu.memref_slice %arg3[%add3A, %add3A_54, %dma_wait3A_104, %dma_wait3A_105] : memref<32x62x2x256xi32, #tpu.memory_space<hbm>> -> memref<1x1x2x256xi32, #tpu.memory_space<hbm>>
      %dma_wait3A_107 = tpu.memref_squeeze %dma_wait3A_106 : memref<1x1x2x256xi32, #tpu.memory_space<hbm>> -> memref<2x256xi32, #tpu.memory_space<hbm>>
      tpu.wait_dma2 semaphore(%arg9 : memref<!tpu.dma_semaphore, #tpu.memory_space<semaphore_mem>>) src(%dma_wait3A_107 : memref<2x256xi32, #tpu.memory_space<hbm>>) dst(%dma_wait3A_103 : memref<2x256xi32, #tpu.memory_space<vmem>>)
      %dma_start3A_108 = arith.constant 0 : i32
      %dma_start3A_109 = arith.constant 0 : i32
      %dma_start3A_110 = arith.constant 0 : i32
      %dma_start3A_111 = arith.constant 0 : i32
      %dma_start3A_112 = arith.constant 0 : i32
      %dma_start3A_113 = tpu.memref_slice %arg7[%dma_start3A_110, %dma_start3A_111, %dma_start3A_112] : memref<2x256x64xbf16, #tpu.memory_space<vmem>> -> memref<1x256x64xbf16, #tpu.memory_space<vmem>>
      %dma_start3A_114 = tpu.memref_squeeze %dma_start3A_113 : memref<1x256x64xbf16, #tpu.memory_space<vmem>> -> memref<256x64xbf16, #tpu.memory_space<vmem>>
      %dma_start3A_115 = arith.constant 0 : i32
      %dma_start3A_116 = tpu.memref_slice %arg8[%dma_start3A_108, %dma_start3A_109, %dma_start3A_115] : memref<2x2x256xi32, #tpu.memory_space<vmem>> -> memref<1x1x256xi32, #tpu.memory_space<vmem>>
      %dma_start3A_117 = tpu.memref_squeeze %dma_start3A_116 : memref<1x1x256xi32, #tpu.memory_space<vmem>> -> memref<256xi32, #tpu.memory_space<vmem>>
      %dma_start3A_118 = arith.constant 0 : i32
      %dma_start3A_119 = arith.constant 0 : i32
      %dma_start3A_120 = tpu.memref_slice %arg2[%dma_start3A_118, %dma_start3A_119] : memref<16384x64xbf16, #tpu.memory_space<hbm>> -> memref<16384x64xbf16, #tpu.memory_space<hbm>>
      tpu.enqueue_indirect_dma source(%dma_start3A_120 : memref<16384x64xbf16, #tpu.memory_space<hbm>>) target(%dma_start3A_114 : memref<256x64xbf16, #tpu.memory_space<vmem>>) offsets(%dma_start3A_117 : memref<256xi32, #tpu.memory_space<vmem>>) semaphore(%arg11 : memref<!tpu.dma_semaphore, #tpu.memory_space<semaphore_mem>>)
      %dma_wait3A_121 = arith.constant 1 : i32
      %dma_wait3A_122 = arith.constant 0 : i32
      %dma_wait3A_123 = arith.constant 0 : i32
      %dma_wait3A_124 = tpu.memref_slice %arg8[%dma_wait3A_121, %dma_wait3A_122, %dma_wait3A_123] : memref<2x2x256xi32, #tpu.memory_space<vmem>> -> memref<1x2x256xi32, #tpu.memory_space<vmem>>
      %dma_wait3A_125 = tpu.memref_squeeze %dma_wait3A_124 : memref<1x2x256xi32, #tpu.memory_space<vmem>> -> memref<2x256xi32, #tpu.memory_space<vmem>>
      %dma_wait3A_126 = arith.constant 0 : i32
      %dma_wait3A_127 = arith.constant 0 : i32
      %dma_wait3A_128 = tpu.memref_slice %arg3[%add3A, %add3A_74, %dma_wait3A_126, %dma_wait3A_127] : memref<32x62x2x256xi32, #tpu.memory_space<hbm>> -> memref<1x1x2x256xi32, #tpu.memory_space<hbm>>
      %dma_wait3A_129 = tpu.memref_squeeze %dma_wait3A_128 : memref<1x1x2x256xi32, #tpu.memory_space<hbm>> -> memref<2x256xi32, #tpu.memory_space<hbm>>
      %dma_wait3A_130 = arith.constant 0 : i32
      %dma_wait3A_131 = arith.constant 0 : i32
      %dma_wait3A_132 = tpu.memref_slice %arg8[%dma_wait3A_121, %dma_wait3A_130, %dma_wait3A_131] : memref<2x2x256xi32, #tpu.memory_space<vmem>> -> memref<1x2x256xi32, #tpu.memory_space<vmem>>
      %dma_wait3A_133 = tpu.memref_squeeze %dma_wait3A_132 : memref<1x2x256xi32, #tpu.memory_space<vmem>> -> memref<2x256xi32, #tpu.memory_space<vmem>>
      %dma_wait3A_134 = arith.constant 0 : i32
      %dma_wait3A_135 = arith.constant 0 : i32
      %dma_wait3A_136 = tpu.memref_slice %arg3[%add3A, %add3A_74, %dma_wait3A_134, %dma_wait3A_135] : memref<32x62x2x256xi32, #tpu.memory_space<hbm>> -> memref<1x1x2x256xi32, #tpu.memory_space<hbm>>
      %dma_wait3A_137 = tpu.memref_squeeze %dma_wait3A_136 : memref<1x1x2x256xi32, #tpu.memory_space<hbm>> -> memref<2x256xi32, #tpu.memory_space<hbm>>
      tpu.wait_dma2 semaphore(%arg10 : memref<!tpu.dma_semaphore, #tpu.memory_space<semaphore_mem>>) src(%dma_wait3A_137 : memref<2x256xi32, #tpu.memory_space<hbm>>) dst(%dma_wait3A_133 : memref<2x256xi32, #tpu.memory_space<vmem>>)
      %dma_start3A_138 = arith.constant 1 : i32
      %dma_start3A_139 = arith.constant 0 : i32
      %dma_start3A_140 = arith.constant 1 : i32
      %dma_start3A_141 = arith.constant 0 : i32
      %dma_start3A_142 = arith.constant 0 : i32
      %dma_start3A_143 = tpu.memref_slice %arg7[%dma_start3A_140, %dma_start3A_141, %dma_start3A_142] : memref<2x256x64xbf16, #tpu.memory_space<vmem>> -> memref<1x256x64xbf16, #tpu.memory_space<vmem>>
      %dma_start3A_144 = tpu.memref_squeeze %dma_start3A_143 : memref<1x256x64xbf16, #tpu.memory_space<vmem>> -> memref<256x64xbf16, #tpu.memory_space<vmem>>
      %dma_start3A_145 = arith.constant 0 : i32
      %dma_start3A_146 = tpu.memref_slice %arg8[%dma_start3A_138, %dma_start3A_139, %dma_start3A_145] : memref<2x2x256xi32, #tpu.memory_space<vmem>> -> memref<1x1x256xi32, #tpu.memory_space<vmem>>
      %dma_start3A_147 = tpu.memref_squeeze %dma_start3A_146 : memref<1x1x256xi32, #tpu.memory_space<vmem>> -> memref<256xi32, #tpu.memory_space<vmem>>
      %dma_start3A_148 = arith.constant 0 : i32
      %dma_start3A_149 = arith.constant 0 : i32
      %dma_start3A_150 = tpu.memref_slice %arg2[%dma_start3A_148, %dma_start3A_149] : memref<16384x64xbf16, #tpu.memory_space<hbm>> -> memref<16384x64xbf16, #tpu.memory_space<hbm>>
      tpu.enqueue_indirect_dma source(%dma_start3A_150 : memref<16384x64xbf16, #tpu.memory_space<hbm>>) target(%dma_start3A_144 : memref<256x64xbf16, #tpu.memory_space<vmem>>) offsets(%dma_start3A_147 : memref<256xi32, #tpu.memory_space<vmem>>) semaphore(%arg12 : memref<!tpu.dma_semaphore, #tpu.memory_space<semaphore_mem>>)
      %dma_wait3A_151 = arith.constant 0 : i32
      %dma_wait3A_152 = arith.constant 0 : i32
      %dma_wait3A_153 = arith.constant 0 : i32
      %dma_wait3A_154 = arith.constant 0 : i32
      %dma_wait3A_155 = arith.constant 0 : i32
      %dma_wait3A_156 = tpu.memref_slice %arg7[%dma_wait3A_153, %dma_wait3A_154, %dma_wait3A_155] : memref<2x256x64xbf16, #tpu.memory_space<vmem>> -> memref<1x256x64xbf16, #tpu.memory_space<vmem>>
      %dma_wait3A_157 = tpu.memref_squeeze %dma_wait3A_156 : memref<1x256x64xbf16, #tpu.memory_space<vmem>> -> memref<256x64xbf16, #tpu.memory_space<vmem>>
      %dma_wait3A_158 = arith.constant 0 : i32
      %dma_wait3A_159 = tpu.memref_slice %arg8[%dma_wait3A_151, %dma_wait3A_152, %dma_wait3A_158] : memref<2x2x256xi32, #tpu.memory_space<vmem>> -> memref<1x1x256xi32, #tpu.memory_space<vmem>>
      %dma_wait3A_160 = tpu.memref_squeeze %dma_wait3A_159 : memref<1x1x256xi32, #tpu.memory_space<vmem>> -> memref<256xi32, #tpu.memory_space<vmem>>
      %dma_wait3A_161 = arith.constant 0 : i32
      %dma_wait3A_162 = arith.constant 0 : i32
      %dma_wait3A_163 = tpu.memref_slice %arg2[%dma_wait3A_161, %dma_wait3A_162] : memref<16384x64xbf16, #tpu.memory_space<hbm>> -> memref<16384x64xbf16, #tpu.memory_space<hbm>>
      tpu.wait_indirect_dma semaphore(%arg11 : memref<!tpu.dma_semaphore, #tpu.memory_space<semaphore_mem>>) src(%dma_wait3A_163 : memref<16384x64xbf16, #tpu.memory_space<hbm>>) dst(%dma_wait3A_157 : memref<256x64xbf16, #tpu.memory_space<vmem>>)
      %dma_start3A_164 = arith.constant 0 : i32
      %dma_start3A_165 = arith.constant 0 : i32
      %dma_start3A_166 = arith.constant 1 : i32
      %dma_start3A_167 = arith.constant 0 : i32
      %dma_start3A_168 = arith.constant 0 : i32
      %dma_start3A_169 = tpu.memref_slice %arg7[%dma_start3A_164, %dma_start3A_167, %dma_start3A_168] : memref<2x256x64xbf16, #tpu.memory_space<vmem>> -> memref<1x256x64xbf16, #tpu.memory_space<vmem>>
      %dma_start3A_170 = tpu.memref_squeeze %dma_start3A_169 : memref<1x256x64xbf16, #tpu.memory_space<vmem>> -> memref<256x64xbf16, #tpu.memory_space<vmem>>
      %dma_start3A_171 = arith.constant 0 : i32
      %dma_start3A_172 = tpu.memref_slice %arg8[%dma_start3A_165, %dma_start3A_166, %dma_start3A_171] : memref<2x2x256xi32, #tpu.memory_space<vmem>> -> memref<1x1x256xi32, #tpu.memory_space<vmem>>
      %dma_start3A_173 = tpu.memref_squeeze %dma_start3A_172 : memref<1x1x256xi32, #tpu.memory_space<vmem>> -> memref<256xi32, #tpu.memory_space<vmem>>
      %dma_start3A_174 = arith.constant 0 : i32
      %dma_start3A_175 = arith.constant 0 : i32
      %dma_start3A_176 = tpu.memref_slice %arg6[%dma_start3A_174, %dma_start3A_175] : memref<16384x64xbf16, #tpu.memory_space<vmem_shared>> -> memref<16384x64xbf16, #tpu.memory_space<vmem_shared>>
      tpu.enqueue_indirect_dma source(%dma_start3A_170 : memref<256x64xbf16, #tpu.memory_space<vmem>>) target(%dma_start3A_176 : memref<16384x64xbf16, #tpu.memory_space<vmem_shared>>) offsets(%dma_start3A_173 : memref<256xi32, #tpu.memory_space<vmem>>) semaphore(%arg13 : memref<!tpu.dma_semaphore, #tpu.memory_space<semaphore_mem>>) {add = true}
      %dma_wait3A_177 = arith.constant 1 : i32
      %dma_wait3A_178 = arith.constant 0 : i32
      %dma_wait3A_179 = arith.constant 1 : i32
      %dma_wait3A_180 = arith.constant 0 : i32
      %dma_wait3A_181 = arith.constant 0 : i32
      %dma_wait3A_182 = tpu.memref_slice %arg7[%dma_wait3A_179, %dma_wait3A_180, %dma_wait3A_181] : memref<2x256x64xbf16, #tpu.memory_space<vmem>> -> memref<1x256x64xbf16, #tpu.memory_space<vmem>>
      %dma_wait3A_183 = tpu.memref_squeeze %dma_wait3A_182 : memref<1x256x64xbf16, #tpu.memory_space<vmem>> -> memref<256x64xbf16, #tpu.memory_space<vmem>>
      %dma_wait3A_184 = arith.constant 0 : i32
      %dma_wait3A_185 = tpu.memref_slice %arg8[%dma_wait3A_177, %dma_wait3A_178, %dma_wait3A_184] : memref<2x2x256xi32, #tpu.memory_space<vmem>> -> memref<1x1x256xi32, #tpu.memory_space<vmem>>
      %dma_wait3A_186 = tpu.memref_squeeze %dma_wait3A_185 : memref<1x1x256xi32, #tpu.memory_space<vmem>> -> memref<256xi32, #tpu.memory_space<vmem>>
      %dma_wait3A_187 = arith.constant 0 : i32
      %dma_wait3A_188 = arith.constant 0 : i32
      %dma_wait3A_189 = tpu.memref_slice %arg2[%dma_wait3A_187, %dma_wait3A_188] : memref<16384x64xbf16, #tpu.memory_space<hbm>> -> memref<16384x64xbf16, #tpu.memory_space<hbm>>
      tpu.wait_indirect_dma semaphore(%arg12 : memref<!tpu.dma_semaphore, #tpu.memory_space<semaphore_mem>>) src(%dma_wait3A_189 : memref<16384x64xbf16, #tpu.memory_space<hbm>>) dst(%dma_wait3A_183 : memref<256x64xbf16, #tpu.memory_space<vmem>>)
      %dma_start3A_190 = arith.constant 1 : i32
      %dma_start3A_191 = arith.constant 1 : i32
      %dma_start3A_192 = arith.constant 1 : i32
      %dma_start3A_193 = arith.constant 0 : i32
      %dma_start3A_194 = arith.constant 0 : i32
      %dma_start3A_195 = tpu.memref_slice %arg7[%dma_start3A_190, %dma_start3A_193, %dma_start3A_194] : memref<2x256x64xbf16, #tpu.memory_space<vmem>> -> memref<1x256x64xbf16, #tpu.memory_space<vmem>>
      %dma_start3A_196 = tpu.memref_squeeze %dma_start3A_195 : memref<1x256x64xbf16, #tpu.memory_space<vmem>> -> memref<256x64xbf16, #tpu.memory_space<vmem>>
      %dma_start3A_197 = arith.constant 0 : i32
      %dma_start3A_198 = tpu.memref_slice %arg8[%dma_start3A_191, %dma_start3A_192, %dma_start3A_197] : memref<2x2x256xi32, #tpu.memory_space<vmem>> -> memref<1x1x256xi32, #tpu.memory_space<vmem>>
      %dma_start3A_199 = tpu.memref_squeeze %dma_start3A_198 : memref<1x1x256xi32, #tpu.memory_space<vmem>> -> memref<256xi32, #tpu.memory_space<vmem>>
      %dma_start3A_200 = arith.constant 0 : i32
      %dma_start3A_201 = arith.constant 0 : i32
      %dma_start3A_202 = tpu.memref_slice %arg6[%dma_start3A_200, %dma_start3A_201] : memref<16384x64xbf16, #tpu.memory_space<vmem_shared>> -> memref<16384x64xbf16, #tpu.memory_space<vmem_shared>>
      tpu.enqueue_indirect_dma source(%dma_start3A_196 : memref<256x64xbf16, #tpu.memory_space<vmem>>) target(%dma_start3A_202 : memref<16384x64xbf16, #tpu.memory_space<vmem_shared>>) offsets(%dma_start3A_199 : memref<256xi32, #tpu.memory_space<vmem>>) semaphore(%arg14 : memref<!tpu.dma_semaphore, #tpu.memory_space<semaphore_mem>>) {add = true}
      %dma_wait3A_203 = arith.constant 0 : i32
      %dma_wait3A_204 = arith.constant 0 : i32
      %dma_wait3A_205 = arith.constant 1 : i32
      %dma_wait3A_206 = arith.constant 0 : i32
      %dma_wait3A_207 = arith.constant 0 : i32
      %dma_wait3A_208 = tpu.memref_slice %arg7[%dma_wait3A_203, %dma_wait3A_206, %dma_wait3A_207] : memref<2x256x64xbf16, #tpu.memory_space<vmem>> -> memref<1x256x64xbf16, #tpu.memory_space<vmem>>
      %dma_wait3A_209 = tpu.memref_squeeze %dma_wait3A_208 : memref<1x256x64xbf16, #tpu.memory_space<vmem>> -> memref<256x64xbf16, #tpu.memory_space<vmem>>
      %dma_wait3A_210 = arith.constant 0 : i32
      %dma_wait3A_211 = tpu.memref_slice %arg8[%dma_wait3A_204, %dma_wait3A_205, %dma_wait3A_210] : memref<2x2x256xi32, #tpu.memory_space<vmem>> -> memref<1x1x256xi32, #tpu.memory_space<vmem>>
      %dma_wait3A_212 = tpu.memref_squeeze %dma_wait3A_211 : memref<1x1x256xi32, #tpu.memory_space<vmem>> -> memref<256xi32, #tpu.memory_space<vmem>>
      %dma_wait3A_213 = arith.constant 0 : i32
      %dma_wait3A_214 = arith.constant 0 : i32
      %dma_wait3A_215 = tpu.memref_slice %arg6[%dma_wait3A_213, %dma_wait3A_214] : memref<16384x64xbf16, #tpu.memory_space<vmem_shared>> -> memref<16384x64xbf16, #tpu.memory_space<vmem_shared>>
      tpu.wait_indirect_dma semaphore(%arg13 : memref<!tpu.dma_semaphore, #tpu.memory_space<semaphore_mem>>) src(%dma_wait3A_209 : memref<256x64xbf16, #tpu.memory_space<vmem>>) dst(%dma_wait3A_215 : memref<16384x64xbf16, #tpu.memory_space<vmem_shared>>)
      %dma_wait3A_216 = arith.constant 1 : i32
      %dma_wait3A_217 = arith.constant 1 : i32
      %dma_wait3A_218 = arith.constant 1 : i32
      %dma_wait3A_219 = arith.constant 0 : i32
      %dma_wait3A_220 = arith.constant 0 : i32
      %dma_wait3A_221 = tpu.memref_slice %arg7[%dma_wait3A_216, %dma_wait3A_219, %dma_wait3A_220] : memref<2x256x64xbf16, #tpu.memory_space<vmem>> -> memref<1x256x64xbf16, #tpu.memory_space<vmem>>
      %dma_wait3A_222 = tpu.memref_squeeze %dma_wait3A_221 : memref<1x256x64xbf16, #tpu.memory_space<vmem>> -> memref<256x64xbf16, #tpu.memory_space<vmem>>
      %dma_wait3A_223 = arith.constant 0 : i32
      %dma_wait3A_224 = tpu.memref_slice %arg8[%dma_wait3A_217, %dma_wait3A_218, %dma_wait3A_223] : memref<2x2x256xi32, #tpu.memory_space<vmem>> -> memref<1x1x256xi32, #tpu.memory_space<vmem>>
      %dma_wait3A_225 = tpu.memref_squeeze %dma_wait3A_224 : memref<1x1x256xi32, #tpu.memory_space<vmem>> -> memref<256xi32, #tpu.memory_space<vmem>>
      %dma_wait3A_226 = arith.constant 0 : i32
      %dma_wait3A_227 = arith.constant 0 : i32
      %dma_wait3A_228 = tpu.memref_slice %arg6[%dma_wait3A_226, %dma_wait3A_227] : memref<16384x64xbf16, #tpu.memory_space<vmem_shared>> -> memref<16384x64xbf16, #tpu.memory_space<vmem_shared>>
      tpu.wait_indirect_dma semaphore(%arg14 : memref<!tpu.dma_semaphore, #tpu.memory_space<semaphore_mem>>) src(%dma_wait3A_222 : memref<256x64xbf16, #tpu.memory_space<vmem>>) dst(%dma_wait3A_228 : memref<16384x64xbf16, #tpu.memory_space<vmem_shared>>)
    }
    %while3A_42 = arith.constant 1 : i32
    scf.for %while3A_48 = %while3A_40 to %while3A_36 step %while3A_42  : i32 {
      %mul3A_49 = arith.muli %while3A_48, %while3A : i32
      %add3A_50 = arith.addi %while3A_33, %mul3A_49 : i32
      %mul3A_51 = arith.constant 2 : i32
      %mul3A_52 = arith.muli %mul3A_51, %add3A_50 : i32
      %add3A_53 = arith.constant 0 : i32
      %add3A_54 = arith.addi %mul3A_52, %add3A_53 : i32
      %dma_start3A = arith.constant 0 : i32
      %dma_start3A_55 = arith.constant 0 : i32
      %dma_start3A_56 = arith.constant 0 : i32
      %dma_start3A_57 = tpu.memref_slice %arg8[%dma_start3A, %dma_start3A_55, %dma_start3A_56] : memref<2x2x256xi32, #tpu.memory_space<vmem>> -> memref<1x2x256xi32, #tpu.memory_space<vmem>>
      %dma_start3A_58 = tpu.memref_squeeze %dma_start3A_57 : memref<1x2x256xi32, #tpu.memory_space<vmem>> -> memref<2x256xi32, #tpu.memory_space<vmem>>
      %dma_start3A_59 = arith.constant 0 : i32
      %dma_start3A_60 = arith.constant 0 : i32
      %dma_start3A_61 = tpu.memref_slice %arg3[%add3A, %add3A_54, %dma_start3A_59, %dma_start3A_60] : memref<32x62x2x256xi32, #tpu.memory_space<hbm>> -> memref<1x1x2x256xi32, #tpu.memory_space<hbm>>
      %dma_start3A_62 = tpu.memref_squeeze %dma_start3A_61 : memref<1x1x2x256xi32, #tpu.memory_space<hbm>> -> memref<2x256xi32, #tpu.memory_space<hbm>>
      %dma_start3A_63 = arith.constant 0 : i32
      %dma_start3A_64 = arith.constant 0 : i32
      %dma_start3A_65 = tpu.memref_slice %arg8[%dma_start3A, %dma_start3A_63, %dma_start3A_64] : memref<2x2x256xi32, #tpu.memory_space<vmem>> -> memref<1x2x256xi32, #tpu.memory_space<vmem>>
      %dma_start3A_66 = tpu.memref_squeeze %dma_start3A_65 : memref<1x2x256xi32, #tpu.memory_space<vmem>> -> memref<2x256xi32, #tpu.memory_space<vmem>>
      %dma_start3A_67 = arith.constant 0 : i32
      %dma_start3A_68 = arith.constant 0 : i32
      %dma_start3A_69 = tpu.memref_slice %arg3[%add3A, %add3A_54, %dma_start3A_67, %dma_start3A_68] : memref<32x62x2x256xi32, #tpu.memory_space<hbm>> -> memref<1x1x2x256xi32, #tpu.memory_space<hbm>>
      %dma_start3A_70 = tpu.memref_squeeze %dma_start3A_69 : memref<1x1x2x256xi32, #tpu.memory_space<hbm>> -> memref<2x256xi32, #tpu.memory_space<hbm>>
      tpu.enqueue_dma source(%dma_start3A_70 : memref<2x256xi32, #tpu.memory_space<hbm>>) target(%dma_start3A_66 : memref<2x256xi32, #tpu.memory_space<vmem>>) target_semaphore(%arg9 : memref<!tpu.dma_semaphore, #tpu.memory_space<semaphore_mem>>)
      %mul3A_71 = arith.constant 2 : i32
      %mul3A_72 = arith.muli %mul3A_71, %add3A_50 : i32
      %add3A_73 = arith.constant 1 : i32
      %add3A_74 = arith.addi %mul3A_72, %add3A_73 : i32
      %dma_start3A_75 = arith.constant 1 : i32
      %dma_start3A_76 = arith.constant 0 : i32
      %dma_start3A_77 = arith.constant 0 : i32
      %dma_start3A_78 = tpu.memref_slice %arg8[%dma_start3A_75, %dma_start3A_76, %dma_start3A_77] : memref<2x2x256xi32, #tpu.memory_space<vmem>> -> memref<1x2x256xi32, #tpu.memory_space<vmem>>
      %dma_start3A_79 = tpu.memref_squeeze %dma_start3A_78 : memref<1x2x256xi32, #tpu.memory_space<vmem>> -> memref<2x256xi32, #tpu.memory_space<vmem>>
      %dma_start3A_80 = arith.constant 0 : i32
      %dma_start3A_81 = arith.constant 0 : i32
      %dma_start3A_82 = tpu.memref_slice %arg3[%add3A, %add3A_74, %dma_start3A_80, %dma_start3A_81] : memref<32x62x2x256xi32, #tpu.memory_space<hbm>> -> memref<1x1x2x256xi32, #tpu.memory_space<hbm>>
      %dma_start3A_83 = tpu.memref_squeeze %dma_start3A_82 : memref<1x1x2x256xi32, #tpu.memory_space<hbm>> -> memref<2x256xi32, #tpu.memory_space<hbm>>
      %dma_start3A_84 = arith.constant 0 : i32
      %dma_start3A_85 = arith.constant 0 : i32
      %dma_start3A_86 = tpu.memref_slice %arg8[%dma_start3A_75, %dma_start3A_84, %dma_start3A_85] : memref<2x2x256xi32, #tpu.memory_space<vmem>> -> memref<1x2x256xi32, #tpu.memory_space<vmem>>
      %dma_start3A_87 = tpu.memref_squeeze %dma_start3A_86 : memref<1x2x256xi32, #tpu.memory_space<vmem>> -> memref<2x256xi32, #tpu.memory_space<vmem>>
      %dma_start3A_88 = arith.constant 0 : i32
      %dma_start3A_89 = arith.constant 0 : i32
      %dma_start3A_90 = tpu.memref_slice %arg3[%add3A, %add3A_74, %dma_start3A_88, %dma_start3A_89] : memref<32x62x2x256xi32, #tpu.memory_space<hbm>> -> memref<1x1x2x256xi32, #tpu.memory_space<hbm>>
      %dma_start3A_91 = tpu.memref_squeeze %dma_start3A_90 : memref<1x1x2x256xi32, #tpu.memory_space<hbm>> -> memref<2x256xi32, #tpu.memory_space<hbm>>
      tpu.enqueue_dma source(%dma_start3A_91 : memref<2x256xi32, #tpu.memory_space<hbm>>) target(%dma_start3A_87 : memref<2x256xi32, #tpu.memory_space<vmem>>) target_semaphore(%arg10 : memref<!tpu.dma_semaphore, #tpu.memory_space<semaphore_mem>>)
      %dma_wait3A = arith.constant 0 : i32
      %dma_wait3A_92 = arith.constant 0 : i32
      %dma_wait3A_93 = arith.constant 0 : i32
      %dma_wait3A_94 = tpu.memref_slice %arg8[%dma_wait3A, %dma_wait3A_92, %dma_wait3A_93] : memref<2x2x256xi32, #tpu.memory_space<vmem>> -> memref<1x2x256xi32, #tpu.memory_space<vmem>>
      %dma_wait3A_95 = tpu.memref_squeeze %dma_wait3A_94 : memref<1x2x256xi32, #tpu.memory_space<vmem>> -> memref<2x256xi32, #tpu.memory_space<vmem>>
      %dma_wait3A_96 = arith.constant 0 : i32
      %dma_wait3A_97 = arith.constant 0 : i32
      %dma_wait3A_98 = tpu.memref_slice %arg3[%add3A, %add3A_54, %dma_wait3A_96, %dma_wait3A_97] : memref<32x62x2x256xi32, #tpu.memory_space<hbm>> -> memref<1x1x2x256xi32, #tpu.memory_space<hbm>>
      %dma_wait3A_99 = tpu.memref_squeeze %dma_wait3A_98 : memref<1x1x2x256xi32, #tpu.memory_space<hbm>> -> memref<2x256xi32, #tpu.memory_space<hbm>>
      %dma_wait3A_100 = arith.constant 0 : i32
      %dma_wait3A_101 = arith.constant 0 : i32
      %dma_wait3A_102 = tpu.memref_slice %arg8[%dma_wait3A, %dma_wait3A_100, %dma_wait3A_101] : memref<2x2x256xi32, #tpu.memory_space<vmem>> -> memref<1x2x256xi32, #tpu.memory_space<vmem>>
      %dma_wait3A_103 = tpu.memref_squeeze %dma_wait3A_102 : memref<1x2x256xi32, #tpu.memory_space<vmem>> -> memref<2x256xi32, #tpu.memory_space<vmem>>
      %dma_wait3A_104 = arith.constant 0 : i32
      %dma_wait3A_105 = arith.constant 0 : i32
      %dma_wait3A_106 = tpu.memref_slice %arg3[%add3A, %add3A_54, %dma_wait3A_104, %dma_wait3A_105] : memref<32x62x2x256xi32, #tpu.memory_space<hbm>> -> memref<1x1x2x256xi32, #tpu.memory_space<hbm>>
      %dma_wait3A_107 = tpu.memref_squeeze %dma_wait3A_106 : memref<1x1x2x256xi32, #tpu.memory_space<hbm>> -> memref<2x256xi32, #tpu.memory_space<hbm>>
      tpu.wait_dma2 semaphore(%arg9 : memref<!tpu.dma_semaphore, #tpu.memory_space<semaphore_mem>>) src(%dma_wait3A_107 : memref<2x256xi32, #tpu.memory_space<hbm>>) dst(%dma_wait3A_103 : memref<2x256xi32, #tpu.memory_space<vmem>>)
      %dma_start3A_108 = arith.constant 0 : i32
      %dma_start3A_109 = arith.constant 0 : i32
      %dma_start3A_110 = arith.constant 0 : i32
      %dma_start3A_111 = arith.constant 0 : i32
      %dma_start3A_112 = arith.constant 0 : i32
      %dma_start3A_113 = tpu.memref_slice %arg7[%dma_start3A_110, %dma_start3A_111, %dma_start3A_112] : memref<2x256x64xbf16, #tpu.memory_space<vmem>> -> memref<1x256x64xbf16, #tpu.memory_space<vmem>>
      %dma_start3A_114 = tpu.memref_squeeze %dma_start3A_113 : memref<1x256x64xbf16, #tpu.memory_space<vmem>> -> memref<256x64xbf16, #tpu.memory_space<vmem>>
      %dma_start3A_115 = arith.constant 0 : i32
      %dma_start3A_116 = tpu.memref_slice %arg8[%dma_start3A_108, %dma_start3A_109, %dma_start3A_115] : memref<2x2x256xi32, #tpu.memory_space<vmem>> -> memref<1x1x256xi32, #tpu.memory_space<vmem>>
      %dma_start3A_117 = tpu.memref_squeeze %dma_start3A_116 : memref<1x1x256xi32, #tpu.memory_space<vmem>> -> memref<256xi32, #tpu.memory_space<vmem>>
      %dma_start3A_118 = arith.constant 0 : i32
      %dma_start3A_119 = arith.constant 0 : i32
      %dma_start3A_120 = tpu.memref_slice %arg2[%dma_start3A_118, %dma_start3A_119] : memref<16384x64xbf16, #tpu.memory_space<hbm>> -> memref<16384x64xbf16, #tpu.memory_space<hbm>>
      tpu.enqueue_indirect_dma source(%dma_start3A_120 : memref<16384x64xbf16, #tpu.memory_space<hbm>>) target(%dma_start3A_114 : memref<256x64xbf16, #tpu.memory_space<vmem>>) offsets(%dma_start3A_117 : memref<256xi32, #tpu.memory_space<vmem>>) semaphore(%arg11 : memref<!tpu.dma_semaphore, #tpu.memory_space<semaphore_mem>>)
      %dma_wait3A_121 = arith.constant 1 : i32
      %dma_wait3A_122 = arith.constant 0 : i32
      %dma_wait3A_123 = arith.constant 0 : i32
      %dma_wait3A_124 = tpu.memref_slice %arg8[%dma_wait3A_121, %dma_wait3A_122, %dma_wait3A_123] : memref<2x2x256xi32, #tpu.memory_space<vmem>> -> memref<1x2x256xi32, #tpu.memory_space<vmem>>
      %dma_wait3A_125 = tpu.memref_squeeze %dma_wait3A_124 : memref<1x2x256xi32, #tpu.memory_space<vmem>> -> memref<2x256xi32, #tpu.memory_space<vmem>>
      %dma_wait3A_126 = arith.constant 0 : i32
      %dma_wait3A_127 = arith.constant 0 : i32
      %dma_wait3A_128 = tpu.memref_slice %arg3[%add3A, %add3A_74, %dma_wait3A_126, %dma_wait3A_127] : memref<32x62x2x256xi32, #tpu.memory_space<hbm>> -> memref<1x1x2x256xi32, #tpu.memory_space<hbm>>
      %dma_wait3A_129 = tpu.memref_squeeze %dma_wait3A_128 : memref<1x1x2x256xi32, #tpu.memory_space<hbm>> -> memref<2x256xi32, #tpu.memory_space<hbm>>
      %dma_wait3A_130 = arith.constant 0 : i32
      %dma_wait3A_131 = arith.constant 0 : i32
      %dma_wait3A_132 = tpu.memref_slice %arg8[%dma_wait3A_121, %dma_wait3A_130, %dma_wait3A_131] : memref<2x2x256xi32, #tpu.memory_space<vmem>> -> memref<1x2x256xi32, #tpu.memory_space<vmem>>
      %dma_wait3A_133 = tpu.memref_squeeze %dma_wait3A_132 : memref<1x2x256xi32, #tpu.memory_space<vmem>> -> memref<2x256xi32, #tpu.memory_space<vmem>>
      %dma_wait3A_134 = arith.constant 0 : i32
      %dma_wait3A_135 = arith.constant 0 : i32
      %dma_wait3A_136 = tpu.memref_slice %arg3[%add3A, %add3A_74, %dma_wait3A_134, %dma_wait3A_135] : memref<32x62x2x256xi32, #tpu.memory_space<hbm>> -> memref<1x1x2x256xi32, #tpu.memory_space<hbm>>
      %dma_wait3A_137 = tpu.memref_squeeze %dma_wait3A_136 : memref<1x1x2x256xi32, #tpu.memory_space<hbm>> -> memref<2x256xi32, #tpu.memory_space<hbm>>
      tpu.wait_dma2 semaphore(%arg10 : memref<!tpu.dma_semaphore, #tpu.memory_space<semaphore_mem>>) src(%dma_wait3A_137 : memref<2x256xi32, #tpu.memory_space<hbm>>) dst(%dma_wait3A_133 : memref<2x256xi32, #tpu.memory_space<vmem>>)
      %dma_start3A_138 = arith.constant 1 : i32
      %dma_start3A_139 = arith.constant 0 : i32
      %dma_start3A_140 = arith.constant 1 : i32
      %dma_start3A_141 = arith.constant 0 : i32
      %dma_start3A_142 = arith.constant 0 : i32
      %dma_start3A_143 = tpu.memref_slice %arg7[%dma_start3A_140, %dma_start3A_141, %dma_start3A_142] : memref<2x256x64xbf16, #tpu.memory_space<vmem>> -> memref<1x256x64xbf16, #tpu.memory_space<vmem>>
      %dma_start3A_144 = tpu.memref_squeeze %dma_start3A_143 : memref<1x256x64xbf16, #tpu.memory_space<vmem>> -> memref<256x64xbf16, #tpu.memory_space<vmem>>
      %dma_start3A_145 = arith.constant 0 : i32
      %dma_start3A_146 = tpu.memref_slice %arg8[%dma_start3A_138, %dma_start3A_139, %dma_start3A_145] : memref<2x2x256xi32, #tpu.memory_space<vmem>> -> memref<1x1x256xi32, #tpu.memory_space<vmem>>
      %dma_start3A_147 = tpu.memref_squeeze %dma_start3A_146 : memref<1x1x256xi32, #tpu.memory_space<vmem>> -> memref<256xi32, #tpu.memory_space<vmem>>
      %dma_start3A_148 = arith.constant 0 : i32
      %dma_start3A_149 = arith.constant 0 : i32
      %dma_start3A_150 = tpu.memref_slice %arg2[%dma_start3A_148, %dma_start3A_149] : memref<16384x64xbf16, #tpu.memory_space<hbm>> -> memref<16384x64xbf16, #tpu.memory_space<hbm>>
      tpu.enqueue_indirect_dma source(%dma_start3A_150 : memref<16384x64xbf16, #tpu.memory_space<hbm>>) target(%dma_start3A_144 : memref<256x64xbf16, #tpu.memory_space<vmem>>) offsets(%dma_start3A_147 : memref<256xi32, #tpu.memory_space<vmem>>) semaphore(%arg12 : memref<!tpu.dma_semaphore, #tpu.memory_space<semaphore_mem>>)
      %dma_wait3A_151 = arith.constant 0 : i32
      %dma_wait3A_152 = arith.constant 0 : i32
      %dma_wait3A_153 = arith.constant 0 : i32
      %dma_wait3A_154 = arith.constant 0 : i32
      %dma_wait3A_155 = arith.constant 0 : i32
      %dma_wait3A_156 = tpu.memref_slice %arg7[%dma_wait3A_153, %dma_wait3A_154, %dma_wait3A_155] : memref<2x256x64xbf16, #tpu.memory_space<vmem>> -> memref<1x256x64xbf16, #tpu.memory_space<vmem>>
      %dma_wait3A_157 = tpu.memref_squeeze %dma_wait3A_156 : memref<1x256x64xbf16, #tpu.memory_space<vmem>> -> memref<256x64xbf16, #tpu.memory_space<vmem>>
      %dma_wait3A_158 = arith.constant 0 : i32
      %dma_wait3A_159 = tpu.memref_slice %arg8[%dma_wait3A_151, %dma_wait3A_152, %dma_wait3A_158] : memref<2x2x256xi32, #tpu.memory_space<vmem>> -> memref<1x1x256xi32, #tpu.memory_space<vmem>>
      %dma_wait3A_160 = tpu.memref_squeeze %dma_wait3A_159 : memref<1x1x256xi32, #tpu.memory_space<vmem>> -> memref<256xi32, #tpu.memory_space<vmem>>
      %dma_wait3A_161 = arith.constant 0 : i32
      %dma_wait3A_162 = arith.constant 0 : i32
      %dma_wait3A_163 = tpu.memref_slice %arg2[%dma_wait3A_161, %dma_wait3A_162] : memref<16384x64xbf16, #tpu.memory_space<hbm>> -> memref<16384x64xbf16, #tpu.memory_space<hbm>>
      tpu.wait_indirect_dma semaphore(%arg11 : memref<!tpu.dma_semaphore, #tpu.memory_space<semaphore_mem>>) src(%dma_wait3A_163 : memref<16384x64xbf16, #tpu.memory_space<hbm>>) dst(%dma_wait3A_157 : memref<256x64xbf16, #tpu.memory_space<vmem>>)
      %dma_start3A_164 = arith.constant 0 : i32
      %dma_start3A_165 = arith.constant 0 : i32
      %dma_start3A_166 = arith.constant 1 : i32
      %dma_start3A_167 = arith.constant 0 : i32
      %dma_start3A_168 = arith.constant 0 : i32
      %dma_start3A_169 = tpu.memref_slice %arg7[%dma_start3A_164, %dma_start3A_167, %dma_start3A_168] : memref<2x256x64xbf16, #tpu.memory_space<vmem>> -> memref<1x256x64xbf16, #tpu.memory_space<vmem>>
      %dma_start3A_170 = tpu.memref_squeeze %dma_start3A_169 : memref<1x256x64xbf16, #tpu.memory_space<vmem>> -> memref<256x64xbf16, #tpu.memory_space<vmem>>
      %dma_start3A_171 = arith.constant 0 : i32
      %dma_start3A_172 = tpu.memref_slice %arg8[%dma_start3A_165, %dma_start3A_166, %dma_start3A_171] : memref<2x2x256xi32, #tpu.memory_space<vmem>> -> memref<1x1x256xi32, #tpu.memory_space<vmem>>
      %dma_start3A_173 = tpu.memref_squeeze %dma_start3A_172 : memref<1x1x256xi32, #tpu.memory_space<vmem>> -> memref<256xi32, #tpu.memory_space<vmem>>
      %dma_start3A_174 = arith.constant 0 : i32
      %dma_start3A_175 = arith.constant 0 : i32
      %dma_start3A_176 = tpu.memref_slice %arg6[%dma_start3A_174, %dma_start3A_175] : memref<16384x64xbf16, #tpu.memory_space<vmem_shared>> -> memref<16384x64xbf16, #tpu.memory_space<vmem_shared>>
      tpu.enqueue_indirect_dma source(%dma_start3A_170 : memref<256x64xbf16, #tpu.memory_space<vmem>>) target(%dma_start3A_176 : memref<16384x64xbf16, #tpu.memory_space<vmem_shared>>) offsets(%dma_start3A_173 : memref<256xi32, #tpu.memory_space<vmem>>) semaphore(%arg13 : memref<!tpu.dma_semaphore, #tpu.memory_space<semaphore_mem>>) {add = true}
      %dma_wait3A_177 = arith.constant 1 : i32
      %dma_wait3A_178 = arith.constant 0 : i32
      %dma_wait3A_179 = arith.constant 1 : i32
      %dma_wait3A_180 = arith.constant 0 : i32
      %dma_wait3A_181 = arith.constant 0 : i32
      %dma_wait3A_182 = tpu.memref_slice %arg7[%dma_wait3A_179, %dma_wait3A_180, %dma_wait3A_181] : memref<2x256x64xbf16, #tpu.memory_space<vmem>> -> memref<1x256x64xbf16, #tpu.memory_space<vmem>>
      %dma_wait3A_183 = tpu.memref_squeeze %dma_wait3A_182 : memref<1x256x64xbf16, #tpu.memory_space<vmem>> -> memref<256x64xbf16, #tpu.memory_space<vmem>>
      %dma_wait3A_184 = arith.constant 0 : i32
      %dma_wait3A_185 = tpu.memref_slice %arg8[%dma_wait3A_177, %dma_wait3A_178, %dma_wait3A_184] : memref<2x2x256xi32, #tpu.memory_space<vmem>> -> memref<1x1x256xi32, #tpu.memory_space<vmem>>
      %dma_wait3A_186 = tpu.memref_squeeze %dma_wait3A_185 : memref<1x1x256xi32, #tpu.memory_space<vmem>> -> memref<256xi32, #tpu.memory_space<vmem>>
      %dma_wait3A_187 = arith.constant 0 : i32
      %dma_wait3A_188 = arith.constant 0 : i32
      %dma_wait3A_189 = tpu.memref_slice %arg2[%dma_wait3A_187, %dma_wait3A_188] : memref<16384x64xbf16, #tpu.memory_space<hbm>> -> memref<16384x64xbf16, #tpu.memory_space<hbm>>
      tpu.wait_indirect_dma semaphore(%arg12 : memref<!tpu.dma_semaphore, #tpu.memory_space<semaphore_mem>>) src(%dma_wait3A_189 : memref<16384x64xbf16, #tpu.memory_space<hbm>>) dst(%dma_wait3A_183 : memref<256x64xbf16, #tpu.memory_space<vmem>>)
      %dma_start3A_190 = arith.constant 1 : i32
      %dma_start3A_191 = arith.constant 1 : i32
      %dma_start3A_192 = arith.constant 1 : i32
      %dma_start3A_193 = arith.constant 0 : i32
      %dma_start3A_194 = arith.constant 0 : i32
      %dma_start3A_195 = tpu.memref_slice %arg7[%dma_start3A_190, %dma_start3A_193, %dma_start3A_194] : memref<2x256x64xbf16, #tpu.memory_space<vmem>> -> memref<1x256x64xbf16, #tpu.memory_space<vmem>>
      %dma_start3A_196 = tpu.memref_squeeze %dma_start3A_195 : memref<1x256x64xbf16, #tpu.memory_space<vmem>> -> memref<256x64xbf16, #tpu.memory_space<vmem>>
      %dma_start3A_197 = arith.constant 0 : i32
      %dma_start3A_198 = tpu.memref_slice %arg8[%dma_start3A_191, %dma_start3A_192, %dma_start3A_197] : memref<2x2x256xi32, #tpu.memory_space<vmem>> -> memref<1x1x256xi32, #tpu.memory_space<vmem>>
      %dma_start3A_199 = tpu.memref_squeeze %dma_start3A_198 : memref<1x1x256xi32, #tpu.memory_space<vmem>> -> memref<256xi32, #tpu.memory_space<vmem>>
      %dma_start3A_200 = arith.constant 0 : i32
      %dma_start3A_201 = arith.constant 0 : i32
      %dma_start3A_202 = tpu.memref_slice %arg6[%dma_start3A_200, %dma_start3A_201] : memref<16384x64xbf16, #tpu.memory_space<vmem_shared>> -> memref<16384x64xbf16, #tpu.memory_space<vmem_shared>>
      tpu.enqueue_indirect_dma source(%dma_start3A_196 : memref<256x64xbf16, #tpu.memory_space<vmem>>) target(%dma_start3A_202 : memref<16384x64xbf16, #tpu.memory_space<vmem_shared>>) offsets(%dma_start3A_199 : memref<256xi32, #tpu.memory_space<vmem>>) semaphore(%arg14 : memref<!tpu.dma_semaphore, #tpu.memory_space<semaphore_mem>>) {add = true}
      %dma_wait3A_203 = arith.constant 0 : i32
      %dma_wait3A_204 = arith.constant 0 : i32
      %dma_wait3A_205 = arith.constant 1 : i32
      %dma_wait3A_206 = arith.constant 0 : i32
      %dma_wait3A_207 = arith.constant 0 : i32
      %dma_wait3A_208 = tpu.memref_slice %arg7[%dma_wait3A_203, %dma_wait3A_206, %dma_wait3A_207] : memref<2x256x64xbf16, #tpu.memory_space<vmem>> -> memref<1x256x64xbf16, #tpu.memory_space<vmem>>
      %dma_wait3A_209 = tpu.memref_squeeze %dma_wait3A_208 : memref<1x256x64xbf16, #tpu.memory_space<vmem>> -> memref<256x64xbf16, #tpu.memory_space<vmem>>
      %dma_wait3A_210 = arith.constant 0 : i32
      %dma_wait3A_211 = tpu.memref_slice %arg8[%dma_wait3A_204, %dma_wait3A_205, %dma_wait3A_210] : memref<2x2x256xi32, #tpu.memory_space<vmem>> -> memref<1x1x256xi32, #tpu.memory_space<vmem>>
      %dma_wait3A_212 = tpu.memref_squeeze %dma_wait3A_211 : memref<1x1x256xi32, #tpu.memory_space<vmem>> -> memref<256xi32, #tpu.memory_space<vmem>>
      %dma_wait3A_213 = arith.constant 0 : i32
      %dma_wait3A_214 = arith.constant 0 : i32
      %dma_wait3A_215 = tpu.memref_slice %arg6[%dma_wait3A_213, %dma_wait3A_214] : memref<16384x64xbf16, #tpu.memory_space<vmem_shared>> -> memref<16384x64xbf16, #tpu.memory_space<vmem_shared>>
      tpu.wait_indirect_dma semaphore(%arg13 : memref<!tpu.dma_semaphore, #tpu.memory_space<semaphore_mem>>) src(%dma_wait3A_209 : memref<256x64xbf16, #tpu.memory_space<vmem>>) dst(%dma_wait3A_215 : memref<16384x64xbf16, #tpu.memory_space<vmem_shared>>)
      %dma_wait3A_216 = arith.constant 1 : i32
      %dma_wait3A_217 = arith.constant 1 : i32
      %dma_wait3A_218 = arith.constant 1 : i32
      %dma_wait3A_219 = arith.constant 0 : i32
      %dma_wait3A_220 = arith.constant 0 : i32
      %dma_wait3A_221 = tpu.memref_slice %arg7[%dma_wait3A_216, %dma_wait3A_219, %dma_wait3A_220] : memref<2x256x64xbf16, #tpu.memory_space<vmem>> -> memref<1x256x64xbf16, #tpu.memory_space<vmem>>
      %dma_wait3A_222 = tpu.memref_squeeze %dma_wait3A_221 : memref<1x256x64xbf16, #tpu.memory_space<vmem>> -> memref<256x64xbf16, #tpu.memory_space<vmem>>
      %dma_wait3A_223 = arith.constant 0 : i32
      %dma_wait3A_224 = tpu.memref_slice %arg8[%dma_wait3A_217, %dma_wait3A_218, %dma_wait3A_223] : memref<2x2x256xi32, #tpu.memory_space<vmem>> -> memref<1x1x256xi32, #tpu.memory_space<vmem>>
      %dma_wait3A_225 = tpu.memref_squeeze %dma_wait3A_224 : memref<1x1x256xi32, #tpu.memory_space<vmem>> -> memref<256xi32, #tpu.memory_space<vmem>>
      %dma_wait3A_226 = arith.constant 0 : i32
      %dma_wait3A_227 = arith.constant 0 : i32
      %dma_wait3A_228 = tpu.memref_slice %arg6[%dma_wait3A_226, %dma_wait3A_227] : memref<16384x64xbf16, #tpu.memory_space<vmem_shared>> -> memref<16384x64xbf16, #tpu.memory_space<vmem_shared>>
      tpu.wait_indirect_dma semaphore(%arg14 : memref<!tpu.dma_semaphore, #tpu.memory_space<semaphore_mem>>) src(%dma_wait3A_222 : memref<256x64xbf16, #tpu.memory_space<vmem>>) dst(%dma_wait3A_228 : memref<16384x64xbf16, #tpu.memory_space<vmem_shared>>)
    }
    %barrier3A_43 = arith.constant 0 : index
    tpu.barrier barrier_id(%barrier3A_43)
    %mul3A_44 = arith.constant 1024 : i32
    %mul3A_45 = arith.muli %arg1, %mul3A_44 : i32
    %mul3A_46 = arith.constant 1024 : i32
    %mul3A_47 = arith.muli %arg1, %mul3A_46 : i32
    "tpu.region"() ({
      %run_scoped3A = tpu.sem_alloc : memref<!tpu.dma_semaphore, #tpu.memory_space<semaphore_mem>>
      %dma_start3A = arith.constant 0 : i32
      %dma_start3A_48 = tpu.memref_slice %arg5[%arg0, %mul3A_47, %dma_start3A] : memref<2x16384x64xbf16, #tpu.memory_space<hbm>> -> memref<1x1024x64xbf16, #tpu.memory_space<hbm>>
      %dma_start3A_49 = tpu.memref_squeeze %dma_start3A_48 : memref<1x1024x64xbf16, #tpu.memory_space<hbm>> -> memref<1024x64xbf16, #tpu.memory_space<hbm>>
      %dma_start3A_50 = arith.constant 0 : i32
      %dma_start3A_51 = tpu.memref_slice %arg6[%mul3A_45, %dma_start3A_50] : memref<16384x64xbf16, #tpu.memory_space<vmem_shared>> -> memref<1024x64xbf16, #tpu.memory_space<vmem_shared>>
      tpu.enqueue_dma source(%dma_start3A_51 : memref<1024x64xbf16, #tpu.memory_space<vmem_shared>>) target(%dma_start3A_49 : memref<1024x64xbf16, #tpu.memory_space<hbm>>) target_semaphore(%run_scoped3A : memref<!tpu.dma_semaphore, #tpu.memory_space<semaphore_mem>>)
      %dma_wait3A = arith.constant 0 : i32
      %dma_wait3A_52 = tpu.memref_slice %arg5[%arg0, %mul3A_47, %dma_wait3A] : memref<2x16384x64xbf16, #tpu.memory_space<hbm>> -> memref<1x1024x64xbf16, #tpu.memory_space<hbm>>
      %dma_wait3A_53 = tpu.memref_squeeze %dma_wait3A_52 : memref<1x1024x64xbf16, #tpu.memory_space<hbm>> -> memref<1024x64xbf16, #tpu.memory_space<hbm>>
      %dma_wait3A_54 = arith.constant 0 : i32
      %dma_wait3A_55 = tpu.memref_slice %arg6[%mul3A_45, %dma_wait3A_54] : memref<16384x64xbf16, #tpu.memory_space<vmem_shared>> -> memref<1024x64xbf16, #tpu.memory_space<vmem_shared>>
      tpu.wait_dma2 semaphore(%run_scoped3A : memref<!tpu.dma_semaphore, #tpu.memory_space<semaphore_mem>>) src(%dma_wait3A_55 : memref<1024x64xbf16, #tpu.memory_space<vmem_shared>>) dst(%dma_wait3A_53 : memref<1024x64xbf16, #tpu.memory_space<hbm>>)
      tpu.yield
    }) : () -> ()
    return
  }
}

module attributes {stable_mosaic.version = 14 : i64} {
  func.func @_tc_scale_body(%arg0: i32, %arg1: memref<512x128xf32, #tpu.memory_space<vmem>>, %arg2: memref<512x16xf32, #tpu.memory_space<vmem>>, %arg3: memref<512x16xf32, #tpu.memory_space<vmem>>, %arg4: memref<512x128xbf16, #tpu.memory_space<vmem>>, %arg5: memref<512x1xf32, #tpu.memory_space<vmem>>) attributes {dimension_semantics = [#tpu.dimension_semantics<arbitrary>], iteration_bounds = array<i64: 32>, scalar_prefetch = 0 : i64, scratch_operands = 0 : i64, tpu.core_type = #tpu.core_type<tc>, window_params = [{transform_indices = @transform_0, window_bounds = array<i64: 512, 128>}, {transform_indices = @transform_1, window_bounds = array<i64: 512, 16>}, {transform_indices = @transform_2, window_bounds = array<i64: 512, 16>}, {transform_indices = @transform_3, window_bounds = array<i64: 512, 128>}, {transform_indices = @transform_4, window_bounds = array<i64: 512, 1>}]} {
    %get3A = arith.constant 0 : index
    %get3A_0 = arith.constant 0 : index
    %get3A_1 = vector.load %arg2[%get3A, %get3A_0] : memref<512x16xf32, #tpu.memory_space<vmem>>, vector<512x1xf32>
    %add3A = arith.constant 1.000000e+00 : f32
    %add3A_2 = vector.broadcast %add3A : f32 to vector<512x1xf32>
    %add3A_3 = arith.addf %add3A_2, %get3A_1 : vector<512x1xf32>
    %get3A_4 = arith.constant 0 : index
    %get3A_5 = arith.constant 0 : index
    %get3A_6 = vector.load %arg3[%get3A_4, %get3A_5] : memref<512x16xf32, #tpu.memory_space<vmem>>, vector<512x1xf32>
    %add3A_7 = arith.addf %add3A_3, %get3A_6 : vector<512x1xf32>
    %rsqrt3A = math.rsqrt %add3A_7 : vector<512x1xf32>
    %get3A_8 = arith.constant 0 : index
    %get3A_9 = arith.constant 0 : index
    %get3A_10 = vector.load %arg1[%get3A_8, %get3A_9] : memref<512x128xf32, #tpu.memory_space<vmem>>, vector<512x128xf32>
    %mul3A = vector.broadcast %rsqrt3A : vector<512x1xf32> to vector<512x128xf32>
    %mul3A_11 = arith.mulf %get3A_10, %mul3A : vector<512x128xf32>
    %convert_element_type3A = arith.truncf %mul3A_11 : vector<512x128xf32> to vector<512x128xbf16>
    %swap3A = arith.constant 0 : index
    %swap3A_12 = arith.constant 0 : index
    %swap3A_13 = vector.load %arg4[%swap3A, %swap3A_12] : memref<512x128xbf16, #tpu.memory_space<vmem>>, vector<512x128xbf16>
    tpu.vector_store %arg4[%swap3A, %swap3A_12], %convert_element_type3A {strides = array<i32>} : memref<512x128xbf16, #tpu.memory_space<vmem>>, vector<512x128xbf16>,
    %swap3A_14 = arith.constant 0 : index
    %swap3A_15 = arith.constant 0 : index
    %swap3A_16 = vector.load %arg5[%swap3A_14, %swap3A_15] : memref<512x1xf32, #tpu.memory_space<vmem>>, vector<512x1xf32>
    tpu.vector_store %arg5[%swap3A_14, %swap3A_15], %rsqrt3A {strides = array<i32>} : memref<512x1xf32, #tpu.memory_space<vmem>>, vector<512x1xf32>,
    return
  }
  func.func @transform_0(%arg0: i32) -> (i32, i32) {
    %c0_i32 = arith.constant 0 : i32
    %c0_i32_0 = arith.constant 0 : i32
    return %arg0, %c0_i32 : i32, i32
  }
  func.func @transform_1(%arg0: i32) -> (i32, i32) {
    %c0_i32 = arith.constant 0 : i32
    %c0_i32_0 = arith.constant 0 : i32
    return %arg0, %c0_i32 : i32, i32
  }
  func.func @transform_2(%arg0: i32) -> (i32, i32) {
    %c0_i32 = arith.constant 0 : i32
    %c0_i32_0 = arith.constant 0 : i32
    return %arg0, %c0_i32 : i32, i32
  }
  func.func @transform_3(%arg0: i32) -> (i32, i32) {
    %c0_i32 = arith.constant 0 : i32
    %c0_i32_0 = arith.constant 0 : i32
    return %arg0, %c0_i32 : i32, i32
  }
  func.func @transform_4(%arg0: i32) -> (i32, i32) {
    %c0_i32 = arith.constant 0 : i32
    %c0_i32_0 = arith.constant 0 : i32
    return %arg0, %c0_i32 : i32, i32
  }
}

module attributes {stable_mosaic.version = 14 : i64} {
  func.func @_tc_dense_body(%arg0: i32, %arg1: memref<512x128xbf16, #tpu.memory_space<vmem>>, %arg2: memref<512x128xbf16, #tpu.memory_space<vmem>>, %arg3: memref<512x128xbf16, #tpu.memory_space<vmem>>, %arg4: memref<512x1xf32, #tpu.memory_space<vmem>>, %arg5: memref<128x384xf32, #tpu.memory_space<vmem>>, %arg6: memref<1x384xf32, #tpu.memory_space<vmem>>, %arg7: memref<384x64xf32, #tpu.memory_space<vmem>>, %arg8: memref<512x64xbf16, #tpu.memory_space<vmem>>) attributes {dimension_semantics = [#tpu.dimension_semantics<arbitrary>], iteration_bounds = array<i64: 32>, scalar_prefetch = 0 : i64, scratch_operands = 0 : i64, tpu.core_type = #tpu.core_type<tc>, window_params = [{transform_indices = @transform_0, window_bounds = array<i64: 512, 128>}, {transform_indices = @transform_1, window_bounds = array<i64: 512, 128>}, {transform_indices = @transform_2, window_bounds = array<i64: 512, 128>}, {transform_indices = @transform_3, window_bounds = array<i64: 512, 1>}, {pipeline_mode = #tpu.pipeline_mode<synchronous>, transform_indices = @transform_4, window_bounds = array<i64: 128, 384>}, {pipeline_mode = #tpu.pipeline_mode<synchronous>, transform_indices = @transform_5, window_bounds = array<i64: 1, 384>}, {pipeline_mode = #tpu.pipeline_mode<synchronous>, transform_indices = @transform_6, window_bounds = array<i64: 384, 64>}, {transform_indices = @transform_7, window_bounds = array<i64: 512, 64>}]} {
    %get3A = arith.constant 0 : index
    %get3A_0 = arith.constant 0 : index
    %get3A_1 = vector.load %arg4[%get3A, %get3A_0] : memref<512x1xf32, #tpu.memory_space<vmem>>, vector<512x1xf32>
    %get3A_2 = arith.constant 0 : index
    %get3A_3 = arith.constant 0 : index
    %get3A_4 = vector.load %arg1[%get3A_2, %get3A_3] : memref<512x128xbf16, #tpu.memory_space<vmem>>, vector<512x128xbf16>
    %convert_element_type3A = arith.extf %get3A_4 : vector<512x128xbf16> to vector<512x128xf32>
    %get3A_5 = arith.constant 0 : index
    %get3A_6 = arith.constant 0 : index
    %get3A_7 = vector.load %arg2[%get3A_5, %get3A_6] : memref<512x128xbf16, #tpu.memory_space<vmem>>, vector<512x128xbf16>
    %convert_element_type3A_8 = arith.extf %get3A_7 : vector<512x128xbf16> to vector<512x128xf32>
    %add3A = arith.addf %convert_element_type3A, %convert_element_type3A_8 : vector<512x128xf32>
    %get3A_9 = arith.constant 0 : index
    %get3A_10 = arith.constant 0 : index
    %get3A_11 = vector.load %arg3[%get3A_9, %get3A_10] : memref<512x128xbf16, #tpu.memory_space<vmem>>, vector<512x128xbf16>
    %convert_element_type3A_12 = arith.extf %get3A_11 : vector<512x128xbf16> to vector<512x128xf32>
    %add3A_13 = arith.addf %add3A, %convert_element_type3A_12 : vector<512x128xf32>
    %mul3A = vector.broadcast %get3A_1 : vector<512x1xf32> to vector<512x128xf32>
    %mul3A_14 = arith.mulf %mul3A, %add3A_13 : vector<512x128xf32>
    %get3A_15 = arith.constant 0 : index
    %get3A_16 = arith.constant 0 : index
    %get3A_17 = vector.load %arg5[%get3A_15, %get3A_16] : memref<128x384xf32, #tpu.memory_space<vmem>>, vector<128x384xf32>
    %dot_general3A = arith.constant dense<0.000000e+00> : vector<512x384xf32>
    %dot_general3A_18 = tpu.matmul %mul3A_14, %get3A_17, %dot_general3A {dimension_numbers = #tpu.dot_dimension_numbers<[1], [0], [0], [1], [0, 0, 1, 1], [], []>, transpose_lhs_hint = false} : vector<512x128xf32>, vector<128x384xf32>, vector<512x384xf32> -> vector<512x384xf32>
    %get3A_19 = arith.constant 0 : index
    %get3A_20 = arith.constant 0 : index
    %get3A_21 = vector.load %arg6[%get3A_19, %get3A_20] : memref<1x384xf32, #tpu.memory_space<vmem>>, vector<1x384xf32>
    %add3A_22 = vector.broadcast %get3A_21 : vector<1x384xf32> to vector<512x384xf32>
    %add3A_23 = arith.addf %dot_general3A_18, %add3A_22 : vector<512x384xf32>
    %max3A = arith.constant 0.000000e+00 : f32
    %max3A_24 = vector.broadcast %max3A : f32 to vector<512x384xf32>
    %max3A_25 = arith.maximumf %add3A_23, %max3A_24 : vector<512x384xf32>
    %get3A_26 = arith.constant 0 : index
    %get3A_27 = arith.constant 0 : index
    %get3A_28 = vector.load %arg7[%get3A_26, %get3A_27] : memref<384x64xf32, #tpu.memory_space<vmem>>, vector<384x64xf32>
    %dot_general3A_29 = arith.constant dense<0.000000e+00> : vector<512x64xf32>
    %dot_general3A_30 = tpu.matmul %max3A_25, %get3A_28, %dot_general3A_29 {dimension_numbers = #tpu.dot_dimension_numbers<[1], [0], [0], [1], [0, 0, 1, 1], [], []>, transpose_lhs_hint = false} : vector<512x384xf32>, vector<384x64xf32>, vector<512x64xf32> -> vector<512x64xf32>
    %mul3A_31 = vector.broadcast %get3A_1 : vector<512x1xf32> to vector<512x64xf32>
    %mul3A_32 = arith.mulf %mul3A_31, %dot_general3A_30 : vector<512x64xf32>
    %convert_element_type3A_33 = arith.truncf %mul3A_32 : vector<512x64xf32> to vector<512x64xbf16>
    %swap3A = arith.constant 0 : index
    %swap3A_34 = arith.constant 0 : index
    %swap3A_35 = vector.load %arg8[%swap3A, %swap3A_34] : memref<512x64xbf16, #tpu.memory_space<vmem>>, vector<512x64xbf16>
    tpu.vector_store %arg8[%swap3A, %swap3A_34], %convert_element_type3A_33 {strides = array<i32>} : memref<512x64xbf16, #tpu.memory_space<vmem>>, vector<512x64xbf16>,
    return
  }
  func.func @transform_0(%arg0: i32) -> (i32, i32) {
    %c0_i32 = arith.constant 0 : i32
    %c0_i32_0 = arith.constant 0 : i32
    return %arg0, %c0_i32 : i32, i32
  }
  func.func @transform_1(%arg0: i32) -> (i32, i32) {
    %c0_i32 = arith.constant 0 : i32
    %c0_i32_0 = arith.constant 0 : i32
    return %arg0, %c0_i32 : i32, i32
  }
  func.func @transform_2(%arg0: i32) -> (i32, i32) {
    %c0_i32 = arith.constant 0 : i32
    %c0_i32_0 = arith.constant 0 : i32
    return %arg0, %c0_i32 : i32, i32
  }
  func.func @transform_3(%arg0: i32) -> (i32, i32) {
    %c0_i32 = arith.constant 0 : i32
    %c0_i32_0 = arith.constant 0 : i32
    return %arg0, %c0_i32 : i32, i32
  }
  func.func @transform_4(%arg0: i32) -> (i32, i32) {
    %c0_i32 = arith.constant 0 : i32
    %c0_i32_0 = arith.constant 0 : i32
    %c0_i32_1 = arith.constant 0 : i32
    return %c0_i32, %c0_i32_0 : i32, i32
  }
  func.func @transform_5(%arg0: i32) -> (i32, i32) {
    %c0_i32 = arith.constant 0 : i32
    %c0_i32_0 = arith.constant 0 : i32
    %c0_i32_1 = arith.constant 0 : i32
    return %c0_i32, %c0_i32_0 : i32, i32
  }
  func.func @transform_6(%arg0: i32) -> (i32, i32) {
    %c0_i32 = arith.constant 0 : i32
    %c0_i32_0 = arith.constant 0 : i32
    %c0_i32_1 = arith.constant 0 : i32
    return %c0_i32, %c0_i32_0 : i32, i32
  }
  func.func @transform_7(%arg0: i32) -> (i32, i32) {
    %c0_i32 = arith.constant 0 : i32
    %c0_i32_0 = arith.constant 0 : i32
    return %arg0, %c0_i32 : i32, i32
  }
}

module attributes {stable_mosaic.version = 14 : i64} {
  func.func @_tc_softmax_body(%arg0: i32, %arg1: memref<512x64xbf16, #tpu.memory_space<vmem>>, %arg2: memref<512x64xbf16, #tpu.memory_space<vmem>>, %arg3: memref<512x64xbf16, #tpu.memory_space<vmem>>, %arg4: memref<512x1xf32, #tpu.memory_space<vmem>>, %arg5: memref<1x64xf32, #tpu.memory_space<vmem>>, %arg6: memref<512x64xf32, #tpu.memory_space<vmem>>) attributes {dimension_semantics = [#tpu.dimension_semantics<arbitrary>], iteration_bounds = array<i64: 32>, scalar_prefetch = 0 : i64, scratch_operands = 0 : i64, tpu.core_type = #tpu.core_type<tc>, window_params = [{transform_indices = @transform_0, window_bounds = array<i64: 512, 64>}, {transform_indices = @transform_1, window_bounds = array<i64: 512, 64>}, {transform_indices = @transform_2, window_bounds = array<i64: 512, 64>}, {transform_indices = @transform_3, window_bounds = array<i64: 512, 1>}, {pipeline_mode = #tpu.pipeline_mode<synchronous>, transform_indices = @transform_4, window_bounds = array<i64: 1, 64>}, {transform_indices = @transform_5, window_bounds = array<i64: 512, 64>}]} {
    %get3A = arith.constant 0 : index
    %get3A_0 = arith.constant 0 : index
    %get3A_1 = vector.load %arg1[%get3A, %get3A_0] : memref<512x64xbf16, #tpu.memory_space<vmem>>, vector<512x64xbf16>
    %convert_element_type3A = arith.extf %get3A_1 : vector<512x64xbf16> to vector<512x64xf32>
    %get3A_2 = arith.constant 0 : index
    %get3A_3 = arith.constant 0 : index
    %get3A_4 = vector.load %arg2[%get3A_2, %get3A_3] : memref<512x64xbf16, #tpu.memory_space<vmem>>, vector<512x64xbf16>
    %convert_element_type3A_5 = arith.extf %get3A_4 : vector<512x64xbf16> to vector<512x64xf32>
    %add3A = arith.addf %convert_element_type3A, %convert_element_type3A_5 : vector<512x64xf32>
    %get3A_6 = arith.constant 0 : index
    %get3A_7 = arith.constant 0 : index
    %get3A_8 = vector.load %arg3[%get3A_6, %get3A_7] : memref<512x64xbf16, #tpu.memory_space<vmem>>, vector<512x64xbf16>
    %convert_element_type3A_9 = arith.extf %get3A_8 : vector<512x64xbf16> to vector<512x64xf32>
    %add3A_10 = arith.addf %add3A, %convert_element_type3A_9 : vector<512x64xf32>
    %get3A_11 = arith.constant 0 : index
    %get3A_12 = arith.constant 0 : index
    %get3A_13 = vector.load %arg4[%get3A_11, %get3A_12] : memref<512x1xf32, #tpu.memory_space<vmem>>, vector<512x1xf32>
    %mul3A = vector.broadcast %get3A_13 : vector<512x1xf32> to vector<512x64xf32>
    %mul3A_14 = arith.mulf %mul3A, %add3A_10 : vector<512x64xf32>
    %get3A_15 = arith.constant 0 : index
    %get3A_16 = arith.constant 0 : index
    %get3A_17 = vector.load %arg5[%get3A_15, %get3A_16] : memref<1x64xf32, #tpu.memory_space<vmem>>, vector<1x64xf32>
    %add3A_18 = vector.broadcast %get3A_17 : vector<1x64xf32> to vector<512x64xf32>
    %add3A_19 = arith.addf %mul3A_14, %add3A_18 : vector<512x64xf32>
    %iota3A = tpu.iota {dimensions = array<i32: 1>} : vector<512x64xi32>
    %lt3A = arith.constant 40 : i32
    %lt3A_20 = vector.broadcast %lt3A : i32 to vector<512x64xi32>
    %lt3A_21 = arith.cmpi slt, %iota3A, %lt3A_20 : vector<512x64xi32>
    %jit3A = arith.constant 0xFF800000 : f32
    %broadcast_in_dim3A = vector.broadcast %jit3A : f32 to vector<512x64xf32>
    %select_n3A = arith.select %lt3A_21, %add3A_19, %broadcast_in_dim3A : vector<512x64xi1>, vector<512x64xf32>
    %reduce_max3A = arith.constant dense<0xFF800000> : vector<512xf32>
    %reduce_max3A_22 = vector.multi_reduction <maximumf>, %select_n3A, %reduce_max3A [1] : vector<512x64xf32> to vector<512xf32>
    %broadcast_in_dim3A_23 = vector.shape_cast %reduce_max3A_22 : vector<512xf32> to vector<512x1xf32>
    %sub3A = vector.broadcast %broadcast_in_dim3A_23 : vector<512x1xf32> to vector<512x64xf32>
    %sub3A_24 = arith.subf %add3A_19, %sub3A : vector<512x64xf32>
    %exp3A = math.exp %sub3A_24 : vector<512x64xf32>
    %jit3A_25 = arith.constant 0.000000e+00 : f32
    %broadcast_in_dim3A_26 = vector.broadcast %jit3A_25 : f32 to vector<512x64xf32>
    %select_n3A_27 = arith.select %lt3A_21, %exp3A, %broadcast_in_dim3A_26 : vector<512x64xi1>, vector<512x64xf32>
    %sub3A_28 = vector.broadcast %broadcast_in_dim3A_23 : vector<512x1xf32> to vector<512x64xf32>
    %sub3A_29 = arith.subf %add3A_19, %sub3A_28 : vector<512x64xf32>
    %reduce_sum3A = arith.constant dense<0.000000e+00> : vector<512xf32>
    %reduce_sum3A_30 = vector.multi_reduction <add>, %select_n3A_27, %reduce_sum3A [1] : vector<512x64xf32> to vector<512xf32>
    %broadcast_in_dim3A_31 = vector.shape_cast %reduce_sum3A_30 : vector<512xf32> to vector<512x1xf32>
    %log3A = math.log %broadcast_in_dim3A_31 : vector<512x1xf32>
    %sub3A_32 = vector.broadcast %log3A : vector<512x1xf32> to vector<512x64xf32>
    %sub3A_33 = arith.subf %sub3A_29, %sub3A_32 : vector<512x64xf32>
    %swap3A = arith.constant 0 : index
    %swap3A_34 = arith.constant 0 : index
    %swap3A_35 = vector.load %arg6[%swap3A, %swap3A_34] : memref<512x64xf32, #tpu.memory_space<vmem>>, vector<512x64xf32>
    tpu.vector_store %arg6[%swap3A, %swap3A_34], %sub3A_33 {strides = array<i32>} : memref<512x64xf32, #tpu.memory_space<vmem>>, vector<512x64xf32>,
    return
  }
  func.func @transform_0(%arg0: i32) -> (i32, i32) {
    %c0_i32 = arith.constant 0 : i32
    %c0_i32_0 = arith.constant 0 : i32
    return %arg0, %c0_i32 : i32, i32
  }
  func.func @transform_1(%arg0: i32) -> (i32, i32) {
    %c0_i32 = arith.constant 0 : i32
    %c0_i32_0 = arith.constant 0 : i32
    return %arg0, %c0_i32 : i32, i32
  }
  func.func @transform_2(%arg0: i32) -> (i32, i32) {
    %c0_i32 = arith.constant 0 : i32
    %c0_i32_0 = arith.constant 0 : i32
    return %arg0, %c0_i32 : i32, i32
  }
  func.func @transform_3(%arg0: i32) -> (i32, i32) {
    %c0_i32 = arith.constant 0 : i32
    %c0_i32_0 = arith.constant 0 : i32
    return %arg0, %c0_i32 : i32, i32
  }
  func.func @transform_4(%arg0: i32) -> (i32, i32) {
    %c0_i32 = arith.constant 0 : i32
    %c0_i32_0 = arith.constant 0 : i32
    %c0_i32_1 = arith.constant 0 : i32
    return %c0_i32, %c0_i32_0 : i32, i32
  }
  func.func @transform_5(%arg0: i32) -> (i32, i32) {
    %c0_i32 = arith.constant 0 : i32
    %c0_i32_0 = arith.constant 0 : i32
    return %arg0, %c0_i32 : i32, i32
  }
}

</mosaic_0001>

<sc_bundles>
// kernel: kernel.11.cloned.1.call-start
scs
__scs_entry_jumppad:
0x0: {  	(pc) =	sbr.rel $0x88, $3  }
0x1: {  	(tag) =	ssettag $0x0;
	lr =	simm.s32 $0x1  }
0x2: {  	[smem:$0x3F9B] =	sst lr;
	_ =	strace $0xD0000000  }
0x3: {  	_ = 	snop  }
0x4: {  	_ = 	snop  }
0x5: {  	_ = 	snop  }
0x6: {  	_ = 	snop  }
0x7: {  	_ = 	snop  }
__scs_overlays_trampoline_lowered:
0x8: {  	[smem:$0x3FAA] =	sst s0  }
0x9: {  	[smem:$0x3FAB] =	sst s1  }
0xa: {  	[smem:$0x3FAC] =	sst s2  }
0xb: {  	[smem:$0x3FAD] =	sst s3  }
0xc: {  	[smem:$0x3FAE] =	sst s4  }
0xd: {  	[smem:$0x3FAF] =	sst s5  }
0xe: {  	[smem:$0x3FB0] =	sst s6  }
0xf: {  	[smem:$0x3FB1] =	sst s7  }
0x10: {  	[smem:$0x3FB2] =	sst s8  }
0x11: {  	[smem:$0x3FB3] =	sst s9;
	s0 =	simm.s32 @!p0 $0x0  }
0x12: {  	s1 =	sld [smem:$0x3F99];
	s0 =	simm.s32 @p0 $0x1  }
0x13: {  	[smem:$0x3FB4] =	sst s0;
	s0 =	simm.s32 @!p1 $0x0  }
0x14: {  	s2 =	sld [smem:$0x3F98];
	s0 =	simm.s32 @p1 $0x1  }
0x15: {  	[smem:$0x3FB5] =	sst s0;
	s0 =	simm.s32 @!p2 $0x0  }
0x16: {  	s3 =	sld [smem:$0x3FDB];
	s0 =	simm.s32 @p2 $0x1  }
0x17: {  	s4 =	simm.s32 $0x1BF5;
	[smem:$0x3FB7] =	sst s0  }
0x18: {  	s0 =	sld [smem:$0x3F9A];
	_ =	swait.ge [sflag:s4], $0x0  }
0x19: {  	s7 =	sld [smem:$0x3F9B]  }
0x1a: {  	s8 =	sadd.s32 $0xFFFFE003, lr  }
0x1b: {  	s9 =	sadd.s32 $0xFFFFFEF7, lr;
	s5 =	simm.s32 $0xFFFFFFFF;
	p2 =	slt.u32 s8, $0xFFFFF086  }
0x1c: {  	p1 =	slt.u32 s9, $0xF7A;
	s5 =	simm.s32 @!p2 $0x0  }
0x1d: {  	s5 =	simm.s32 @p1 $0x1;
	p0 =	seq.s32 s7, s2  }
0x1e: {  	s7 =	smul.u32 @!p0 $0xF7A, s2;
	p2 =	seq.s32 @!p0 s5, $0x0  }
0x1f: {  	s9 =	smul.u32 $0xF7A, s1;
	s8 =	simm.s32 @!p0 $0x1BF5;
	p2 =	por !p2, p0  }
0x20: {  	[sflag:s8] =	ssyncset.s32 @!p0 $0xFFFFF086;
	s6 =	sadd.s32 @!p0 s3, s7;
	s7 =	simm.s32 @!p0 $0x108  }
0x21: {  	s3 =	sadd.s32 s3, s9;
	s6 =	sadd.s32 @!p0 $0x88, s6;
	s7 =	simm.s32 @p2 $0x1082  }
0x22: {  	[simem:s7], [sflag:s8] =	dma.local @!p0 [hbm:s6], $0xF7A  }
0x23: {  	s9 =	sor.u32 $0xD0000000, s2;
	s6 =	simm.s32 $0x108;
	_ =	swait.ge @!p0 [sflag:s8], $0x0  }
0x24: {  	s3 =	sadd.s32 $0x88, s3;
	s6 =	simm.s32 @!p1 $0x1082;
	[sflag:s4] =	ssyncset.s32 $0xFFFFF086  }
0x25: {  	[simem:s6], [sflag:s4] =	dma.local [hbm:s3], $0xF7A  }
0x26: {  	[smem:$0x3F9B] =	sst s1;
	(tag) =	ssettag s2;
	_ =	strace s9  }
0x27: {  	s1 =	sld [smem:$0x3FAB]  }
0x28: {  	s2 =	sld [smem:$0x3FAC]  }
0x29: {  	s4 =	sld [smem:$0x3FAE]  }
0x2a: {  	p0 =	seq.s32 s5, $0x0;
	s5 =	sld [smem:$0x3FAF]  }
0x2b: {  	s6 =	sld [smem:$0x3FB0]  }
0x2c: {  	s7 =	sld [smem:$0x3FB1]  }
0x2d: {  	s3 =	simm.s32 $0x108;
	s8 =	sld [smem:$0x3FB2]  }
0x2e: {  	s3 =	simm.s32 @!p0 $0x1082;
	s9 =	sld [smem:$0x3FB3]  }
0x2f: {  	lr =	sadd.s32 s0, s3;
	s0 =	sld [smem:$0x3FAA]  }
0x30: {  	s3 =	sld [smem:$0x3FAD]  }
0x31: {  	[smem:$0x3FB6] =	sst s10  }
0x32: {  	s10 =	sld [smem:$0x3FB4];
	_ =	sdelay $0x3  }
0x33: {  	p0 =	seq.s32 s10, $0x1;
	s10 =	sld [smem:$0x3FB6];
	_ =	sdelay $0x3  }
0x34: {  	[smem:$0x3FB6] =	sst s10  }
0x35: {  	s10 =	sld [smem:$0x3FB5];
	_ =	sdelay $0x3  }
0x36: {  	p1 =	seq.s32 s10, $0x1;
	s10 =	sld [smem:$0x3FB6];
	_ =	sdelay $0x3  }
0x37: {  	[smem:$0x3FB6] =	sst s10  }
0x38: {  	s10 =	sld [smem:$0x3FB7]  }
0x39: {  	_ = 	snop;
	(pc) =	sbr.ind lr, $3  }
0x3a: {  	_ = 	snop  }
0x3b: {  	_ = 	snop  }
0x3c: {  	p2 =	seq.s32 s10, $0x1;
	s10 =	sld [smem:$0x3FB6]  }
0x3d: {  	_ =	shalt  }
0x3e: {  	_ =	shalt  }
0x3f: {  	_ =	shalt  }
0x40: {  	_ =	shalt  }
0x41: {  	_ =	shalt  }
0x42: {  	_ =	shalt  }
0x43: {  	_ =	shalt  }
0x44: {  	_ =	shalt  }
0x45: {  	_ =	shalt  }
0x46: {  	_ =	shalt  }
0x47: {  	_ =	shalt  }
0x48: {  	_ =	shalt  }
0x49: {  	_ =	shalt  }
0x4a: {  	_ =	shalt  }
0x4b: {  	_ =	shalt  }
0x4c: {  	_ =	shalt  }
0x4d: {  	_ =	shalt  }
0x4e: {  	_ =	shalt  }
0x4f: {  	_ =	shalt  }
0x50: {  	_ =	shalt  }
0x51: {  	_ =	shalt  }
0x52: {  	_ =	shalt  }
0x53: {  	_ =	shalt  }
0x54: {  	_ =	shalt  }
0x55: {  	_ =	shalt  }
0x56: {  	_ =	shalt  }
0x57: {  	_ =	shalt  }
0x58: {  	_ =	shalt  }
0x59: {  	_ =	shalt  }
0x5a: {  	_ =	shalt  }
0x5b: {  	_ =	shalt  }
0x5c: {  	_ =	shalt  }
0x5d: {  	_ =	shalt  }
0x5e: {  	_ =	shalt  }
0x5f: {  	_ =	shalt  }
0x60: {  	_ =	shalt  }
0x61: {  	_ =	shalt  }
0x62: {  	_ =	shalt  }
0x63: {  	_ =	shalt  }
0x64: {  	_ =	shalt  }
0x65: {  	_ =	shalt  }
0x66: {  	_ =	shalt  }
0x67: {  	_ =	shalt  }
0x68: {  	_ =	shalt  }
0x69: {  	_ =	shalt  }
0x6a: {  	_ =	shalt  }
0x6b: {  	_ =	shalt  }
0x6c: {  	_ =	shalt  }
0x6d: {  	_ =	shalt  }
0x6e: {  	_ =	shalt  }
0x6f: {  	_ =	shalt  }
0x70: {  	_ =	shalt  }
0x71: {  	_ =	shalt  }
0x72: {  	_ =	shalt  }
0x73: {  	_ =	shalt  }
0x74: {  	_ =	shalt  }
0x75: {  	_ =	shalt  }
0x76: {  	_ =	shalt  }
0x77: {  	_ =	shalt  }
0x78: {  	_ =	shalt  }
0x79: {  	_ =	shalt  }
0x7a: {  	_ =	shalt  }
0x7b: {  	_ =	shalt  }
0x7c: {  	_ =	shalt  }
0x7d: {  	_ =	shalt  }
0x7e: {  	_ =	shalt  }
0x7f: {  	_ =	shalt  }
0x80: {  	_ =	shalt  }
0x81: {  	_ =	shalt  }
0x82: {  	_ =	shalt  }
0x83: {  	_ =	shalt  }
0x84: {  	_ =	shalt  }
0x85: {  	_ =	shalt  }
0x86: {  	_ =	shalt  }
0x87: {  	_ =	shalt  }
.Lfunc_end0:
.L_simem_size_0:
called_computation.1_lowered:
.L_overlay_start_0:
0x88: {  	s2 =	sld [smem:$0x3FD9]  }
0x89: {  	s3 =	sld [smem:$0x3FFE];
	_ =	sdelay $0x1  }
0x8a: {  	s1 =	srdreg.scid  }
0x8b: {  	s0 =	sand.u32 $0x1, s1  }
0x8c: {  	s16 =	sshll.u32 s0, $0xA;
	s2 =	sadd.s32 s3, s2  }
0x8d: {  	s2 =	sadd.s32 s2, s16  }
0x8e: {  	[smem:$0x3FC2] =	sst s2  }
0x8f: {  	_ = 	snop  }
0x90: {  	(tm) =	ssettm $0x1  }
0x91: {  	s17 =	sld [smem:$0x3FFB];
	_ =	sdelay $0x3  }
0x92: {  	_ =	strace s17  }
0x93: {  	s2 =	sld [smem:$0x3FFC];
	_ =	sdelay $0x3  }
0x94: {  	_ =	strace s2  }
0x95: {  	s2 =	sld [smem:$0x3FFD];
	_ =	sdelay $0x3  }
0x96: {  	_ =	strace s2  }
0x97: {  	_ =	strace $0x8FFFFFFF  }
0x98: {  	s18 =	sld [smem:$0x3FDB];
	_ =	sdelay $0x1  }
0x99: {  	s19 =	simm.s32 $_scs_section_size  }
0x9a: {  	s4 =	simm.s32 $_size__tile_overlayer_lowered;
	s5 =	simm.s32 $_tile_overlayer_lowered  }
0x9b: {  	s22 =	simm.s32 $0x1BFF;
	s21 =	sshll.u32 s5, $0x1;
	s2 =	sadd.s32 s19, s18  }
0x9c: {  	s6 =	simm.s32 $0x0;
	s20 =	sshll.u32 s4, $0x1;
	s4 =	sadd.s32 s21, s2  }
0x9d: {  	[timem:s6], [sflag:s22] =	dma.local [hbm:s4], s20  }
0x9e: {  	_ =	swait.ge [sflag:s22], s20  }
0x9f: {  	s3 =	ssub.s32 $0x0, s20;
	[sflag:s22] =	ssyncset.done $0x0  }
0xa0: {  	[sflag:s22] =	ssyncadd.s32 s3;
	_ =	sdelay $0x1  }
0xa1: {  	s23 =	simm.s32 $0x1B8B  }
0xa2: {  	_ =	swait.ge [sflag:s23], $0x1  }
0xa3: {  	[sflag:s23] =	ssyncset.done $0x0  }
0xa4: {  	s25 =	simm.s32 $0x1B8E;
	s24 =	sld [smem:$0x3FFE];
	[sflag:s23] =	ssyncadd.s32 $0xFFFFFFFF  }
0xa5: {  	s26 =	simm.s32 $execute0_lowered;
	[smem:$0x3FD2] =	sst s25  }
0xa6: {  	s4 =	sshll.u32 s26, $0x1;
	_ =	strace $0x80000049;
	[dreg:$0x1] =	wrdreg $0xFFFFFFFF  }
0xa7: {  	s28 =	simm.s32 $_size_execute0_lowered;
	s2 =	sadd.s32 s2, s4;
	[dreg:$0x0] =	wrdreg $0x0  }
0xa8: {  	s4 =	sshll.u32 s28, $0x1;
	[dreg:$0x2] =	wrdreg s2  }
0xa9: {  	[dreg:$0x3] =	wrdreg s4  }
0xaa: {  	[dreg:$0x4] =	wrdreg $0xC0  }
0xab: {  	_ =	task [dreg:s6], $0x5FFFF  }
0xac: {  	[dreg:$0x1] =	wrdreg $0xFFFFFFFF  }
0xad: {  	[dreg:$0x0] =	wrdreg $0x60  }
0xae: {  	[dreg:$0x2] =	wrdreg s24  }
0xaf: {  	[dreg:$0x3] =	wrdreg $0x0  }
0xb0: {  	[dreg:$0x4] =	wrdreg $0x9  }
0xb1: {  	_ =	task.clear_ibuf [dreg:s6], $0x5FFFF;
	_ =	strace $0x90000049  }
0xb2: {  	s29 =	simm.s32 $0x9;
	_ =	strace $0x8000004B  }
0xb3: {  	_ =	swait.ge [sflag:s29], $0x1  }
0xb4: {  	[sflag:s29] =	ssyncadd.s32 $0xFFFFFFFF  }
0xb5: {  	_ =	strace $0x9000004B  }
0xb6: {  	_ =	sfence  }
0xb7: {  	s30 =	sld [smem:$0x0];
	_ =	sdelay $0x2  }
0xb8: {  	s31 =	sshll.u32 s1, $0xD;
	s1 =	sshrl.u32 s1, $0x2  }
0xb9: {  	s3 =	sand.u32 $0x4000, s31;
	s1 =	sadd.s32 s1, s30  }
0xba: {  	s0 =	sor.u32 s3, s0;
	s1 =	sshll.u32 s1, $0x11  }
0xbb: {  	s0 =	sor.u32 s1, s0  }
0xbc: {  	s0 =	sadd.s32 $0x8F2B, s0  }
0xbd: {  	[sflag:s0] =	ssyncadd.remote.s32 $0x1  }
0xbe: {  	_ =	sfence.sel $0xFFFF  }
0xbf: {  	[dreg:$0x0] =	wrdreg $0xFFFFFFFF;
	(pc) =	sbr.abs _section_cstart, $3  }
0xc0: {  	[dreg:$0x1] =	wrdreg $0xFFFFFFFF  }
0xc1: {  	_ =	task.clear_ibuf [dreg:s6], $0x2FFFF;
	_ =	strace $0x9FFFFFFF  }
0xc2: {  	(tm) =	ssettm $0x7FFFFFFF  }
0xc3: {  	_ =	shalt  }
tec
execute0_lowered:
.L_overlay_start_1:
0x0: {  	(tag) =	ssettag $0x1  }
0x1: {  	s5 =	rddreg [dreg:$0x0]  }
0x2: {  	s2 =	rddreg [dreg:$0x1]  }
0x3: {  	s0 =	rddreg [dreg:$0x2];
	s4 =	srdreg.scid  }
0x4: {  	s3 =	simm.s32 $0x0;
	s1 =	stileid.u32;
	s15 =	simm.s32 $0x18200  }
0x5: {  	s16 =	simm.s32 $0x1;
	s17 =	simm.s32 $0x100;
	s18 =	simm.s32 $0x10000  }
0x6: {  	s19 =	simm.s32 $0x2;
	s20 =	simm.s32 $0x14000;
	s21 =	simm.s32 $0x3  }
0x7: {  	s22 =	simm.s32 $0x18100;
	s23 =	simm.s32 $0x4;
	s24 =	simm.s32 $0x18300  }
0x8: {  	s25 =	simm.s32 $0x5;
	s26 =	simm.s32 $0x6;
	s28 =	simm.s32 $0x0  }
0x9: {  	s6 =	sand.u32 $0x1, s4;
	[smem:$0x7FF] =	sst s3;
	s7 =	sshll.u32 s1, $0x11  }
0xa: {  	s4 =	sadd.s32 $0x1600, s5;
	s11 =	sadd.s32 $0x25800, s5;
	s9 =	sshll.u32 s1, $0xD  }
0xb: {  	s14 =	smul.u32 $0x7C00, s1;
	s30 =	sshll.u32 s1, $0x6;
	s8 =	sshll.u32 s6, $0x15  }
0xc: {  	_ =	strace $0x8000004A;
	s9 =	sadd.s32 s9, s5;
	s29 =	ssub.s32 $0x2, s6  }
0xd: {  	s12 =	smul.u32 $0x7C000, s6;
	p0 =	seq.s32 s6, $0x0;
	s6 =	sor.u32 $0x1C07, s30  }
0xe: {  	s8 =	sor.u32 s7, s8;
	s10 =	sshrl.u32 s29, $0x1;
	s7 =	sshrl.u32 s7, $0x1  }
0xf: {  	s8 =	sshrl.u32 s8, $0x4;
	s10 =	ssub.s32 s29, s10;
	s13 =	sadd.s32 s7, s2  }
0x10: {  	s7 =	simm.s32 $0x9;
	s12 =	sadd.s32 s14, s12;
	s8 =	sadd.s32 s8, s5  }
0x11: {  	s5 =	sadd.s32 $0x44800, s9;
	s7 =	simm.s32 @!p0 $0x1F;
	s14 =	sor.u32 $0x200, s12  }
0x12: {  	s9 =	smax.u32 s10, $0x1;
	s12 =	sshrl.u32 s12, $0x3;
	s31 =	sshrl.u32 s14, $0x3  }
0x13: {  	s8 =	sadd.s32 $0xA4800, s8;
	s14 =	simm.s32 $0x18000;
	s10 =	sadd.s32 s31, s11  }
0x14: {  	s11 =	sadd.s32 s12, s11;
	s12 =	sshrl.u32 s13, $0x3;
	s13 =	simm.s32 $0x7  }
.LBB2_1:
0x15: {  	[spmem:s12], [sflag:s6] =	dma.local [hbm:s5], $0x2000  }
0x16: {  	_ =	swait.ge [sflag:s13], $0x2000  }
0x17: {  	[sflag:s13] =	ssyncset.done $0x0  }
0x18: {  	[sflag:s13] =	ssyncadd.s32 $0xFFFFE000  }
0x19: {  	[bflag:$0x0] =	sbarrier.arrive $0xFFFF  }
0x1a: {  	[tilespmem:s14], [sflag:$0x1] =	stream.linear.gather [hbm4b:s11+s3], $0x200, $0x38;
	[tilespmem:$0x18400] =	vst v63  }
0x1b: {  	_ = 	snop  }
0x1c: {  	[tilespmem:s15], [sflag:$0x2] =	stream.linear.gather [hbm4b:s10+s3], $0x200, $0x38;
	[tilespmem:$0x18400] =	vst v63  }
0x1d: {  	_ =	swait.ge [sflag:s16], $0x200  }
0x1e: {  	[sflag:s16] =	ssyncset.done $0x0  }
0x1f: {  	[sflag:s16] =	ssyncadd.s32 $0xFFFFFE00  }
0x20: {  	[tilespmem:s18], [sflag:$0x3] =	stream.indirect.gather [hbm4b:s4+s17], $0x40, s14, s17, $0xb8;
	[tilespmem:$0x18400] =	vst v63  }
0x21: {  	_ =	swait.ge [sflag:s19], $0x200  }
0x22: {  	[sflag:s19] =	ssyncset.done $0x0  }
0x23: {  	[sflag:s19] =	ssyncadd.s32 $0xFFFFFE00  }
0x24: {  	[tilespmem:s20], [sflag:$0x4] =	stream.indirect.gather [hbm4b:s4+s17], $0x40, s15, s17, $0xb8;
	[tilespmem:$0x18400] =	vst v63  }
0x25: {  	_ =	swait.ge [sflag:s21], $0x4000  }
0x26: {  	[sflag:s21] =	ssyncset.done $0x0  }
0x27: {  	[sflag:s21] =	ssyncadd.s32 $0xFFFFC000  }
0x28: {  	[spmem:s2] =	stream.indirect.scatter.add.bf16 [tilespmem:s18], [sflag:$0x5], $0x40, s22, s17, $0xb8;
	[tilespmem:$0x18400] =	vst v63  }
0x29: {  	_ =	swait.ge [sflag:s23], $0x4000  }
0x2a: {  	[sflag:s23] =	ssyncset.done $0x0  }
0x2b: {  	p0 =	sne.s32 s7, $0x1;
	[sflag:s23] =	ssyncadd.s32 $0xFFFFC000  }
0x2c: {  	[spmem:s2] =	stream.indirect.scatter.add.bf16 [tilespmem:s20], [sflag:$0x6], $0x40, s24, s17, $0xb8;
	[tilespmem:$0x18400] =	vst v63  }
.Ltmp0:
0x2d: {  	_ =	swait.ge [sflag:s25], $0x4000;
	(pc) =	sbr.rel @!p0 .LBB2_3-.Ltmp0, $4  }
0x2e: {  	[sflag:s25] =	ssyncset.done $0x0  }
0x2f: {  	[sflag:s25] =	ssyncadd.s32 $0xFFFFC000  }
0x30: {  	s29 =	sadd.s32 $0xFFFFFFFF, s7;
	_ =	swait.ge [sflag:s26], $0x4000  }
0x31: {  	s30 =	smov.u32 s10;
	s31 =	smov.u32 s11;
	[sflag:s26] =	ssyncset.done $0x0  }
.LBB2_2:
0x32: {  	[sflag:s26] =	ssyncadd.s32 $0xFFFFC000;
	s30 =	sadd.s32 $0x80, s30;
	s31 =	sadd.s32 $0x80, s31  }
0x33: {  	[tilespmem:s14], [sflag:$0x1] =	stream.linear.gather [hbm4b:s31+s3], $0x200, $0x38;
	[tilespmem:$0x18400] =	vst v63  }
0x34: {  	p0 =	sne.s32 s29, $0x1;
	s29 =	sadd.s32 $0xFFFFFFFF, s29  }
0x35: {  	[tilespmem:s15], [sflag:$0x2] =	stream.linear.gather [hbm4b:s30+s3], $0x200, $0x38;
	[tilespmem:$0x18400] =	vst v63  }
0x36: {  	_ =	swait.ge [sflag:s16], $0x200  }
0x37: {  	[sflag:s16] =	ssyncset.done $0x0  }
0x38: {  	[sflag:s16] =	ssyncadd.s32 $0xFFFFFE00  }
0x39: {  	[tilespmem:s18], [sflag:$0x3] =	stream.indirect.gather [hbm4b:s4+s17], $0x40, s14, s17, $0xb8;
	[tilespmem:$0x18400] =	vst v63  }
0x3a: {  	_ =	swait.ge [sflag:s19], $0x200  }
0x3b: {  	[sflag:s19] =	ssyncset.done $0x0  }
0x3c: {  	[sflag:s19] =	ssyncadd.s32 $0xFFFFFE00  }
0x3d: {  	[tilespmem:s20], [sflag:$0x4] =	stream.indirect.gather [hbm4b:s4+s17], $0x40, s15, s17, $0xb8;
	[tilespmem:$0x18400] =	vst v63  }
0x3e: {  	_ =	swait.ge [sflag:s21], $0x4000  }
0x3f: {  	[sflag:s21] =	ssyncset.done $0x0  }
0x40: {  	[sflag:s21] =	ssyncadd.s32 $0xFFFFC000  }
0x41: {  	[spmem:s2] =	stream.indirect.scatter.add.bf16 [tilespmem:s18], [sflag:$0x5], $0x40, s22, s17, $0xb8;
	[tilespmem:$0x18400] =	vst v63  }
0x42: {  	_ =	swait.ge [sflag:s23], $0x4000  }
0x43: {  	[sflag:s23] =	ssyncset.done $0x0  }
0x44: {  	[sflag:s23] =	ssyncadd.s32 $0xFFFFC000  }
0x45: {  	[spmem:s2] =	stream.indirect.scatter.add.bf16 [tilespmem:s20], [sflag:$0x6], $0x40, s24, s17, $0xb8;
	[tilespmem:$0x18400] =	vst v63  }
.Ltmp1:
0x46: {  	_ =	swait.ge [sflag:s25], $0x4000;
	(pc) =	sbr.rel @p0 .LBB2_2-.Ltmp1, $4  }
0x47: {  	[sflag:s25] =	ssyncset.done $0x0  }
0x48: {  	[sflag:s25] =	ssyncadd.s32 $0xFFFFC000  }
0x49: {  	_ =	swait.ge [sflag:s26], $0x4000  }
0x4a: {  	[sflag:s26] =	ssyncset.done $0x0  }
.LBB2_3:
0x4b: {  	s28 =	sadd.s32 $0x1, s28  }
0x4c: {  	[sflag:s26] =	ssyncadd.s32 $0xFFFFC000;
	p0 =	sne.s32 s28, s9  }
.Ltmp2:
0x4d: {  	[bflag:$0x0] =	sbarrier.arrive $0xFFFF;
	(pc) =	sbr.rel @p0 .LBB2_1-.Ltmp2, $4  }
0x4e: {  	[hbm:s8], [sflag:s6] =	dma.local [spmem:s12], $0x2000  }
0x4f: {  	_ =	swait.ge [sflag:s13], $0x2000  }
0x50: {  	[sflag:s13] =	ssyncset.done $0x0  }
0x51: {  	[sflag:s13] =	ssyncadd.s32 $0xFFFFE000  }
0x52: {  	_ =	sfence.sel $0x180000  }
0x53: {  	[bflag:$0x0] =	sbarrier.arrive $0xFFFF  }
0x54: {  	p0 =	sne.s32 s1, $0x0;
	_ =	strace $0x9000004A  }
0x55: {  	s0 =	sadd.s32 @!p0 $0x100000, s0;
	[bflag:$0x2] =	sbarrier.arrive $0xFFFF  }
0x56: {  	[sflag:s0] =	ssyncadd.tile.s32 @!p0 $0x1;
	_ =	shalt  }
.Lfunc_end2:
_tile_overlayer_lowered:
.L_overlay_start_2:
0x57: {  	(tag) =	ssettag $0x2  }
0x58: {  	s0 =	rddreg [dreg:$0x0];
	s2 =	stileid.u32  }
0x59: {  	s1 =	rddreg [dreg:$0x1];
	p0 =	sne.s32 s2, $0x0  }
0x5a: {  	s3 =	rddreg [dreg:$0x2];
	[bflag:$0x3] =	sbarrier.arrive $0xFFFF;
	s2 =	simm.s32 @!p0 $0x1C07  }
0x5b: {  	[timem:s3], [sflag:s2] =	dma.local @!p0 [hbm:s0], s1  }
0x5c: {  	s0 =	simm.s32 @!p0 $0x7  }
0x5d: {  	_ =	swait.ge @!p0 [sflag:s0], s1  }
0x5e: {  	s1 =	ssub.s32 @!p0 $0x0, s1;
	[sflag:s0] =	ssyncset.done @!p0 $0x0  }
0x5f: {  	[sflag:s0] =	ssyncadd.s32 @!p0 s1  }
0x60: {  	[bflag:$0x3] =	sbarrier.arrive $0xFFFF  }
0x61: {  	_ =	shalt  }

// kernel: kernel.14.cloned.1.call-start
scs
__scs_entry_jumppad:
0x0: {  	(pc) =	sbr.rel $0x88, $3  }
0x1: {  	(tag) =	ssettag $0x0;
	lr =	simm.s32 $0x1  }
0x2: {  	[smem:$0x3F9B] =	sst lr;
	_ =	strace $0xD0000000  }
0x3: {  	_ = 	snop  }
0x4: {  	_ = 	snop  }
0x5: {  	_ = 	snop  }
0x6: {  	_ = 	snop  }
0x7: {  	_ = 	snop  }
__scs_overlays_trampoline_lowered:
0x8: {  	[smem:$0x3FAA] =	sst s0  }
0x9: {  	[smem:$0x3FAB] =	sst s1  }
0xa: {  	[smem:$0x3FAC] =	sst s2  }
0xb: {  	[smem:$0x3FAD] =	sst s3  }
0xc: {  	[smem:$0x3FAE] =	sst s4  }
0xd: {  	[smem:$0x3FAF] =	sst s5  }
0xe: {  	[smem:$0x3FB0] =	sst s6  }
0xf: {  	[smem:$0x3FB1] =	sst s7  }
0x10: {  	[smem:$0x3FB2] =	sst s8  }
0x11: {  	[smem:$0x3FB3] =	sst s9;
	s0 =	simm.s32 @!p0 $0x0  }
0x12: {  	s1 =	sld [smem:$0x3F99];
	s0 =	simm.s32 @p0 $0x1  }
0x13: {  	[smem:$0x3FB4] =	sst s0;
	s0 =	simm.s32 @!p1 $0x0  }
0x14: {  	s2 =	sld [smem:$0x3F98];
	s0 =	simm.s32 @p1 $0x1  }
0x15: {  	[smem:$0x3FB5] =	sst s0;
	s0 =	simm.s32 @!p2 $0x0  }
0x16: {  	s3 =	sld [smem:$0x3FDB];
	s0 =	simm.s32 @p2 $0x1  }
0x17: {  	s4 =	simm.s32 $0x1BF5;
	[smem:$0x3FB7] =	sst s0  }
0x18: {  	s0 =	sld [smem:$0x3F9A];
	_ =	swait.ge [sflag:s4], $0x0  }
0x19: {  	s7 =	sld [smem:$0x3F9B]  }
0x1a: {  	s8 =	sadd.s32 $0xFFFFE003, lr  }
0x1b: {  	s9 =	sadd.s32 $0xFFFFFEF7, lr;
	s5 =	simm.s32 $0xFFFFFFFF;
	p2 =	slt.u32 s8, $0xFFFFF086  }
0x1c: {  	p1 =	slt.u32 s9, $0xF7A;
	s5 =	simm.s32 @!p2 $0x0  }
0x1d: {  	s5 =	simm.s32 @p1 $0x1;
	p0 =	seq.s32 s7, s2  }
0x1e: {  	s7 =	smul.u32 @!p0 $0xF7A, s2;
	p2 =	seq.s32 @!p0 s5, $0x0  }
0x1f: {  	s9 =	smul.u32 $0xF7A, s1;
	s8 =	simm.s32 @!p0 $0x1BF5;
	p2 =	por !p2, p0  }
0x20: {  	[sflag:s8] =	ssyncset.s32 @!p0 $0xFFFFF086;
	s6 =	sadd.s32 @!p0 s3, s7;
	s7 =	simm.s32 @!p0 $0x108  }
0x21: {  	s3 =	sadd.s32 s3, s9;
	s6 =	sadd.s32 @!p0 $0x88, s6;
	s7 =	simm.s32 @p2 $0x1082  }
0x22: {  	[simem:s7], [sflag:s8] =	dma.local @!p0 [hbm:s6], $0xF7A  }
0x23: {  	s9 =	sor.u32 $0xD0000000, s2;
	s6 =	simm.s32 $0x108;
	_ =	swait.ge @!p0 [sflag:s8], $0x0  }
0x24: {  	s3 =	sadd.s32 $0x88, s3;
	s6 =	simm.s32 @!p1 $0x1082;
	[sflag:s4] =	ssyncset.s32 $0xFFFFF086  }
0x25: {  	[simem:s6], [sflag:s4] =	dma.local [hbm:s3], $0xF7A  }
0x26: {  	[smem:$0x3F9B] =	sst s1;
	(tag) =	ssettag s2;
	_ =	strace s9  }
0x27: {  	s1 =	sld [smem:$0x3FAB]  }
0x28: {  	s2 =	sld [smem:$0x3FAC]  }
0x29: {  	s4 =	sld [smem:$0x3FAE]  }
0x2a: {  	p0 =	seq.s32 s5, $0x0;
	s5 =	sld [smem:$0x3FAF]  }
0x2b: {  	s6 =	sld [smem:$0x3FB0]  }
0x2c: {  	s7 =	sld [smem:$0x3FB1]  }
0x2d: {  	s3 =	simm.s32 $0x108;
	s8 =	sld [smem:$0x3FB2]  }
0x2e: {  	s3 =	simm.s32 @!p0 $0x1082;
	s9 =	sld [smem:$0x3FB3]  }
0x2f: {  	lr =	sadd.s32 s0, s3;
	s0 =	sld [smem:$0x3FAA]  }
0x30: {  	s3 =	sld [smem:$0x3FAD]  }
0x31: {  	[smem:$0x3FB6] =	sst s10  }
0x32: {  	s10 =	sld [smem:$0x3FB4];
	_ =	sdelay $0x3  }
0x33: {  	p0 =	seq.s32 s10, $0x1;
	s10 =	sld [smem:$0x3FB6];
	_ =	sdelay $0x3  }
0x34: {  	[smem:$0x3FB6] =	sst s10  }
0x35: {  	s10 =	sld [smem:$0x3FB5];
	_ =	sdelay $0x3  }
0x36: {  	p1 =	seq.s32 s10, $0x1;
	s10 =	sld [smem:$0x3FB6];
	_ =	sdelay $0x3  }
0x37: {  	[smem:$0x3FB6] =	sst s10  }
0x38: {  	s10 =	sld [smem:$0x3FB7]  }
0x39: {  	_ = 	snop;
	(pc) =	sbr.ind lr, $3  }
0x3a: {  	_ = 	snop  }
0x3b: {  	_ = 	snop  }
0x3c: {  	p2 =	seq.s32 s10, $0x1;
	s10 =	sld [smem:$0x3FB6]  }
0x3d: {  	_ =	shalt  }
0x3e: {  	_ =	shalt  }
0x3f: {  	_ =	shalt  }
0x40: {  	_ =	shalt  }
0x41: {  	_ =	shalt  }
0x42: {  	_ =	shalt  }
0x43: {  	_ =	shalt  }
0x44: {  	_ =	shalt  }
0x45: {  	_ =	shalt  }
0x46: {  	_ =	shalt  }
0x47: {  	_ =	shalt  }
0x48: {  	_ =	shalt  }
0x49: {  	_ =	shalt  }
0x4a: {  	_ =	shalt  }
0x4b: {  	_ =	shalt  }
0x4c: {  	_ =	shalt  }
0x4d: {  	_ =	shalt  }
0x4e: {  	_ =	shalt  }
0x4f: {  	_ =	shalt  }
0x50: {  	_ =	shalt  }
0x51: {  	_ =	shalt  }
0x52: {  	_ =	shalt  }
0x53: {  	_ =	shalt  }
0x54: {  	_ =	shalt  }
0x55: {  	_ =	shalt  }
0x56: {  	_ =	shalt  }
0x57: {  	_ =	shalt  }
0x58: {  	_ =	shalt  }
0x59: {  	_ =	shalt  }
0x5a: {  	_ =	shalt  }
0x5b: {  	_ =	shalt  }
0x5c: {  	_ =	shalt  }
0x5d: {  	_ =	shalt  }
0x5e: {  	_ =	shalt  }
0x5f: {  	_ =	shalt  }
0x60: {  	_ =	shalt  }
0x61: {  	_ =	shalt  }
0x62: {  	_ =	shalt  }
0x63: {  	_ =	shalt  }
0x64: {  	_ =	shalt  }
0x65: {  	_ =	shalt  }
0x66: {  	_ =	shalt  }
0x67: {  	_ =	shalt  }
0x68: {  	_ =	shalt  }
0x69: {  	_ =	shalt  }
0x6a: {  	_ =	shalt  }
0x6b: {  	_ =	shalt  }
0x6c: {  	_ =	shalt  }
0x6d: {  	_ =	shalt  }
0x6e: {  	_ =	shalt  }
0x6f: {  	_ =	shalt  }
0x70: {  	_ =	shalt  }
0x71: {  	_ =	shalt  }
0x72: {  	_ =	shalt  }
0x73: {  	_ =	shalt  }
0x74: {  	_ =	shalt  }
0x75: {  	_ =	shalt  }
0x76: {  	_ =	shalt  }
0x77: {  	_ =	shalt  }
0x78: {  	_ =	shalt  }
0x79: {  	_ =	shalt  }
0x7a: {  	_ =	shalt  }
0x7b: {  	_ =	shalt  }
0x7c: {  	_ =	shalt  }
0x7d: {  	_ =	shalt  }
0x7e: {  	_ =	shalt  }
0x7f: {  	_ =	shalt  }
0x80: {  	_ =	shalt  }
0x81: {  	_ =	shalt  }
0x82: {  	_ =	shalt  }
0x83: {  	_ =	shalt  }
0x84: {  	_ =	shalt  }
0x85: {  	_ =	shalt  }
0x86: {  	_ =	shalt  }
0x87: {  	_ =	shalt  }
.Lfunc_end0:
.L_simem_size_0:
called_computation.2_lowered:
.L_overlay_start_0:
0x88: {  	s2 =	sld [smem:$0x3FD9]  }
0x89: {  	s3 =	sld [smem:$0x3FFE];
	_ =	sdelay $0x1  }
0x8a: {  	s1 =	srdreg.scid  }
0x8b: {  	s0 =	sand.u32 $0x1, s1  }
0x8c: {  	s16 =	sshll.u32 s0, $0xA;
	s2 =	sadd.s32 s3, s2  }
0x8d: {  	s2 =	sadd.s32 s2, s16  }
0x8e: {  	[smem:$0x3FC2] =	sst s2  }
0x8f: {  	_ = 	snop  }
0x90: {  	(tm) =	ssettm $0x1  }
0x91: {  	s17 =	sld [smem:$0x3FFB];
	_ =	sdelay $0x3  }
0x92: {  	_ =	strace s17  }
0x93: {  	s2 =	sld [smem:$0x3FFC];
	_ =	sdelay $0x3  }
0x94: {  	_ =	strace s2  }
0x95: {  	s2 =	sld [smem:$0x3FFD];
	_ =	sdelay $0x3  }
0x96: {  	_ =	strace s2  }
0x97: {  	_ =	strace $0x8FFFFFFF  }
0x98: {  	s18 =	sld [smem:$0x3FDB];
	_ =	sdelay $0x1  }
0x99: {  	s19 =	simm.s32 $_scs_section_size  }
0x9a: {  	s4 =	simm.s32 $_size__tile_overlayer_lowered;
	s5 =	simm.s32 $_tile_overlayer_lowered  }
0x9b: {  	s22 =	simm.s32 $0x1BFF;
	s21 =	sshll.u32 s5, $0x1;
	s2 =	sadd.s32 s19, s18  }
0x9c: {  	s6 =	simm.s32 $0x0;
	s20 =	sshll.u32 s4, $0x1;
	s4 =	sadd.s32 s21, s2  }
0x9d: {  	[timem:s6], [sflag:s22] =	dma.local [hbm:s4], s20  }
0x9e: {  	_ =	swait.ge [sflag:s22], s20  }
0x9f: {  	s3 =	ssub.s32 $0x0, s20;
	[sflag:s22] =	ssyncset.done $0x0  }
0xa0: {  	[sflag:s22] =	ssyncadd.s32 s3;
	_ =	sdelay $0x1  }
0xa1: {  	s23 =	simm.s32 $0x1B8B  }
0xa2: {  	_ =	swait.ge [sflag:s23], $0x1  }
0xa3: {  	[sflag:s23] =	ssyncset.done $0x0  }
0xa4: {  	s25 =	simm.s32 $0x1B8E;
	s24 =	sld [smem:$0x3FFE];
	[sflag:s23] =	ssyncadd.s32 $0xFFFFFFFF  }
0xa5: {  	s26 =	simm.s32 $execute0_lowered;
	[smem:$0x3FD2] =	sst s25  }
0xa6: {  	s4 =	sshll.u32 s26, $0x1;
	_ =	strace $0x8000004C;
	[dreg:$0x1] =	wrdreg $0xFFFFFFFF  }
0xa7: {  	s28 =	simm.s32 $_size_execute0_lowered;
	s2 =	sadd.s32 s2, s4;
	[dreg:$0x0] =	wrdreg $0x0  }
0xa8: {  	s4 =	sshll.u32 s28, $0x1;
	[dreg:$0x2] =	wrdreg s2  }
0xa9: {  	[dreg:$0x3] =	wrdreg s4  }
0xaa: {  	[dreg:$0x4] =	wrdreg $0xC0  }
0xab: {  	_ =	task [dreg:s6], $0x5FFFF  }
0xac: {  	[dreg:$0x1] =	wrdreg $0xFFFFFFFF  }
0xad: {  	[dreg:$0x0] =	wrdreg $0x60  }
0xae: {  	[dreg:$0x2] =	wrdreg s24  }
0xaf: {  	[dreg:$0x3] =	wrdreg $0x0  }
0xb0: {  	[dreg:$0x4] =	wrdreg $0x9  }
0xb1: {  	_ =	task.clear_ibuf [dreg:s6], $0x5FFFF;
	_ =	strace $0x9000004C  }
0xb2: {  	s29 =	simm.s32 $0x9;
	_ =	strace $0x8000004E  }
0xb3: {  	_ =	swait.ge [sflag:s29], $0x1  }
0xb4: {  	[sflag:s29] =	ssyncadd.s32 $0xFFFFFFFF  }
0xb5: {  	_ =	strace $0x9000004E  }
0xb6: {  	_ =	sfence  }
0xb7: {  	s30 =	sld [smem:$0x0];
	_ =	sdelay $0x2  }
0xb8: {  	s31 =	sshll.u32 s1, $0xD;
	s1 =	sshrl.u32 s1, $0x2  }
0xb9: {  	s3 =	sand.u32 $0x4000, s31;
	s1 =	sadd.s32 s1, s30  }
0xba: {  	s0 =	sor.u32 s3, s0;
	s1 =	sshll.u32 s1, $0x11  }
0xbb: {  	s0 =	sor.u32 s1, s0  }
0xbc: {  	s0 =	sadd.s32 $0x8F2B, s0  }
0xbd: {  	[sflag:s0] =	ssyncadd.remote.s32 $0x1  }
0xbe: {  	_ =	sfence.sel $0xFFFF  }
0xbf: {  	[dreg:$0x0] =	wrdreg $0xFFFFFFFF;
	(pc) =	sbr.abs _section_cstart, $3  }
0xc0: {  	[dreg:$0x1] =	wrdreg $0xFFFFFFFF  }
0xc1: {  	_ =	task.clear_ibuf [dreg:s6], $0x2FFFF;
	_ =	strace $0x9FFFFFFF  }
0xc2: {  	(tm) =	ssettm $0x7FFFFFFF  }
0xc3: {  	_ =	shalt  }
tec
execute0_lowered:
.L_overlay_start_1:
0x0: {  	(tag) =	ssettag $0x1  }
0x1: {  	s5 =	rddreg [dreg:$0x0]  }
0x2: {  	s2 =	rddreg [dreg:$0x1]  }
0x3: {  	s0 =	rddreg [dreg:$0x2];
	s4 =	srdreg.scid  }
0x4: {  	s3 =	simm.s32 $0x0;
	s1 =	stileid.u32;
	s15 =	simm.s32 $0xC200  }
0x5: {  	s16 =	simm.s32 $0x1;
	s17 =	simm.s32 $0x100;
	s18 =	simm.s32 $0x8000  }
0x6: {  	s19 =	simm.s32 $0x2;
	s20 =	simm.s32 $0xA000;
	s21 =	simm.s32 $0x3  }
0x7: {  	s22 =	simm.s32 $0xC100;
	s23 =	simm.s32 $0x4;
	s24 =	simm.s32 $0xC300  }
0x8: {  	s25 =	simm.s32 $0x5;
	s26 =	simm.s32 $0x6;
	s28 =	simm.s32 $0x0  }
0x9: {  	s6 =	sand.u32 $0x1, s4;
	[smem:$0x7FF] =	sst s3;
	s7 =	sshll.u32 s1, $0x10  }
0xa: {  	s4 =	sadd.s32 $0x44800, s5;
	s11 =	sadd.s32 $0x25800, s5;
	s9 =	sshll.u32 s1, $0xC  }
0xb: {  	s14 =	smul.u32 $0x7C00, s1;
	s30 =	sshll.u32 s1, $0x6;
	s8 =	sshll.u32 s6, $0x14  }
0xc: {  	_ =	strace $0x8000004D;
	s9 =	sadd.s32 s9, s5;
	s29 =	ssub.s32 $0x2, s6  }
0xd: {  	s12 =	smul.u32 $0x7C000, s6;
	p0 =	seq.s32 s6, $0x0;
	s6 =	sor.u32 $0x1C07, s30  }
0xe: {  	s8 =	sor.u32 s7, s8;
	s10 =	sshrl.u32 s29, $0x1;
	s7 =	sshrl.u32 s7, $0x1  }
0xf: {  	s8 =	sshrl.u32 s8, $0x4;
	s10 =	ssub.s32 s29, s10;
	s13 =	sadd.s32 s7, s2  }
0x10: {  	s7 =	simm.s32 $0x9;
	s12 =	sadd.s32 s14, s12;
	s8 =	sadd.s32 s8, s5  }
0x11: {  	s5 =	sadd.s32 $0xE4800, s9;
	s7 =	simm.s32 @!p0 $0x1F;
	s14 =	sor.u32 $0x200, s12  }
0x12: {  	s9 =	smax.u32 s10, $0x1;
	s12 =	sshrl.u32 s12, $0x3;
	s31 =	sshrl.u32 s14, $0x3  }
0x13: {  	s8 =	sadd.s32 $0x1600, s8;
	s14 =	simm.s32 $0xC000;
	s10 =	sadd.s32 s31, s11  }
0x14: {  	s11 =	sadd.s32 s12, s11;
	s12 =	sshrl.u32 s13, $0x3;
	s13 =	simm.s32 $0x7  }
.LBB2_1:
0x15: {  	[spmem:s12], [sflag:s6] =	dma.local [hbm:s5], $0x1000  }
0x16: {  	_ =	swait.ge [sflag:s13], $0x1000  }
0x17: {  	[sflag:s13] =	ssyncset.done $0x0  }
0x18: {  	[sflag:s13] =	ssyncadd.s32 $0xFFFFF000  }
0x19: {  	[bflag:$0x0] =	sbarrier.arrive $0xFFFF  }
0x1a: {  	[tilespmem:s14], [sflag:$0x1] =	stream.linear.gather [hbm4b:s11+s3], $0x200, $0x38;
	[tilespmem:$0xC400] =	vst v63  }
0x1b: {  	_ = 	snop  }
0x1c: {  	[tilespmem:s15], [sflag:$0x2] =	stream.linear.gather [hbm4b:s10+s3], $0x200, $0x38;
	[tilespmem:$0xC400] =	vst v63  }
0x1d: {  	_ =	swait.ge [sflag:s16], $0x200  }
0x1e: {  	[sflag:s16] =	ssyncset.done $0x0  }
0x1f: {  	[sflag:s16] =	ssyncadd.s32 $0xFFFFFE00  }
0x20: {  	[tilespmem:s18], [sflag:$0x3] =	stream.indirect.gather [hbm4b:s4+s17], $0x20, s14, s17, $0xb8;
	[tilespmem:$0xC400] =	vst v63  }
0x21: {  	_ =	swait.ge [sflag:s19], $0x200  }
0x22: {  	[sflag:s19] =	ssyncset.done $0x0  }
0x23: {  	[sflag:s19] =	ssyncadd.s32 $0xFFFFFE00  }
0x24: {  	[tilespmem:s20], [sflag:$0x4] =	stream.indirect.gather [hbm4b:s4+s17], $0x20, s15, s17, $0xb8;
	[tilespmem:$0xC400] =	vst v63  }
0x25: {  	_ =	swait.ge [sflag:s21], $0x2000  }
0x26: {  	[sflag:s21] =	ssyncset.done $0x0  }
0x27: {  	[sflag:s21] =	ssyncadd.s32 $0xFFFFE000  }
0x28: {  	[spmem:s2] =	stream.indirect.scatter.add.bf16 [tilespmem:s18], [sflag:$0x5], $0x20, s22, s17, $0xb8;
	[tilespmem:$0xC400] =	vst v63  }
0x29: {  	_ =	swait.ge [sflag:s23], $0x2000  }
0x2a: {  	[sflag:s23] =	ssyncset.done $0x0  }
0x2b: {  	p0 =	sne.s32 s7, $0x1;
	[sflag:s23] =	ssyncadd.s32 $0xFFFFE000  }
0x2c: {  	[spmem:s2] =	stream.indirect.scatter.add.bf16 [tilespmem:s20], [sflag:$0x6], $0x20, s24, s17, $0xb8;
	[tilespmem:$0xC400] =	vst v63  }
.Ltmp0:
0x2d: {  	_ =	swait.ge [sflag:s25], $0x2000;
	(pc) =	sbr.rel @!p0 .LBB2_3-.Ltmp0, $4  }
0x2e: {  	[sflag:s25] =	ssyncset.done $0x0  }
0x2f: {  	[sflag:s25] =	ssyncadd.s32 $0xFFFFE000  }
0x30: {  	s29 =	sadd.s32 $0xFFFFFFFF, s7;
	_ =	swait.ge [sflag:s26], $0x2000  }
0x31: {  	s30 =	smov.u32 s10;
	s31 =	smov.u32 s11;
	[sflag:s26] =	ssyncset.done $0x0  }
.LBB2_2:
0x32: {  	[sflag:s26] =	ssyncadd.s32 $0xFFFFE000;
	s30 =	sadd.s32 $0x80, s30;
	s31 =	sadd.s32 $0x80, s31  }
0x33: {  	[tilespmem:s14], [sflag:$0x1] =	stream.linear.gather [hbm4b:s31+s3], $0x200, $0x38;
	[tilespmem:$0xC400] =	vst v63  }
0x34: {  	p0 =	sne.s32 s29, $0x1;
	s29 =	sadd.s32 $0xFFFFFFFF, s29  }
0x35: {  	[tilespmem:s15], [sflag:$0x2] =	stream.linear.gather [hbm4b:s30+s3], $0x200, $0x38;
	[tilespmem:$0xC400] =	vst v63  }
0x36: {  	_ =	swait.ge [sflag:s16], $0x200  }
0x37: {  	[sflag:s16] =	ssyncset.done $0x0  }
0x38: {  	[sflag:s16] =	ssyncadd.s32 $0xFFFFFE00  }
0x39: {  	[tilespmem:s18], [sflag:$0x3] =	stream.indirect.gather [hbm4b:s4+s17], $0x20, s14, s17, $0xb8;
	[tilespmem:$0xC400] =	vst v63  }
0x3a: {  	_ =	swait.ge [sflag:s19], $0x200  }
0x3b: {  	[sflag:s19] =	ssyncset.done $0x0  }
0x3c: {  	[sflag:s19] =	ssyncadd.s32 $0xFFFFFE00  }
0x3d: {  	[tilespmem:s20], [sflag:$0x4] =	stream.indirect.gather [hbm4b:s4+s17], $0x20, s15, s17, $0xb8;
	[tilespmem:$0xC400] =	vst v63  }
0x3e: {  	_ =	swait.ge [sflag:s21], $0x2000  }
0x3f: {  	[sflag:s21] =	ssyncset.done $0x0  }
0x40: {  	[sflag:s21] =	ssyncadd.s32 $0xFFFFE000  }
0x41: {  	[spmem:s2] =	stream.indirect.scatter.add.bf16 [tilespmem:s18], [sflag:$0x5], $0x20, s22, s17, $0xb8;
	[tilespmem:$0xC400] =	vst v63  }
0x42: {  	_ =	swait.ge [sflag:s23], $0x2000  }
0x43: {  	[sflag:s23] =	ssyncset.done $0x0  }
0x44: {  	[sflag:s23] =	ssyncadd.s32 $0xFFFFE000  }
0x45: {  	[spmem:s2] =	stream.indirect.scatter.add.bf16 [tilespmem:s20], [sflag:$0x6], $0x20, s24, s17, $0xb8;
	[tilespmem:$0xC400] =	vst v63  }
.Ltmp1:
0x46: {  	_ =	swait.ge [sflag:s25], $0x2000;
	(pc) =	sbr.rel @p0 .LBB2_2-.Ltmp1, $4  }
0x47: {  	[sflag:s25] =	ssyncset.done $0x0  }
0x48: {  	[sflag:s25] =	ssyncadd.s32 $0xFFFFE000  }
0x49: {  	_ =	swait.ge [sflag:s26], $0x2000  }
0x4a: {  	[sflag:s26] =	ssyncset.done $0x0  }
.LBB2_3:
0x4b: {  	s28 =	sadd.s32 $0x1, s28  }
0x4c: {  	[sflag:s26] =	ssyncadd.s32 $0xFFFFE000;
	p0 =	sne.s32 s28, s9  }
.Ltmp2:
0x4d: {  	[bflag:$0x0] =	sbarrier.arrive $0xFFFF;
	(pc) =	sbr.rel @p0 .LBB2_1-.Ltmp2, $4  }
0x4e: {  	[hbm:s8], [sflag:s6] =	dma.local [spmem:s12], $0x1000  }
0x4f: {  	_ =	swait.ge [sflag:s13], $0x1000  }
0x50: {  	[sflag:s13] =	ssyncset.done $0x0  }
0x51: {  	[sflag:s13] =	ssyncadd.s32 $0xFFFFF000  }
0x52: {  	_ =	sfence.sel $0x180000  }
0x53: {  	[bflag:$0x0] =	sbarrier.arrive $0xFFFF  }
0x54: {  	p0 =	sne.s32 s1, $0x0;
	_ =	strace $0x9000004D  }
0x55: {  	s0 =	sadd.s32 @!p0 $0x100000, s0;
	[bflag:$0x2] =	sbarrier.arrive $0xFFFF  }
0x56: {  	[sflag:s0] =	ssyncadd.tile.s32 @!p0 $0x1;
	_ =	shalt  }
.Lfunc_end2:
_tile_overlayer_lowered:
.L_overlay_start_2:
0x57: {  	(tag) =	ssettag $0x2  }
0x58: {  	s0 =	rddreg [dreg:$0x0];
	s2 =	stileid.u32  }
0x59: {  	s1 =	rddreg [dreg:$0x1];
	p0 =	sne.s32 s2, $0x0  }
0x5a: {  	s3 =	rddreg [dreg:$0x2];
	[bflag:$0x3] =	sbarrier.arrive $0xFFFF;
	s2 =	simm.s32 @!p0 $0x1C07  }
0x5b: {  	[timem:s3], [sflag:s2] =	dma.local @!p0 [hbm:s0], s1  }
0x5c: {  	s0 =	simm.s32 @!p0 $0x7  }
0x5d: {  	_ =	swait.ge @!p0 [sflag:s0], s1  }
0x5e: {  	s1 =	ssub.s32 @!p0 $0x0, s1;
	[sflag:s0] =	ssyncset.done @!p0 $0x0  }
0x5f: {  	[sflag:s0] =	ssyncadd.s32 @!p0 s1  }
0x60: {  	[bflag:$0x3] =	sbarrier.arrive $0xFFFF  }
0x61: {  	_ =	shalt  }

// kernel: kernel.8.cloned.1.call-start
scs
__scs_entry_jumppad:
0x0: {  	(pc) =	sbr.rel $0x88, $3  }
0x1: {  	(tag) =	ssettag $0x0;
	lr =	simm.s32 $0x1  }
0x2: {  	[smem:$0x3F9B] =	sst lr;
	_ =	strace $0xD0000000  }
0x3: {  	_ = 	snop  }
0x4: {  	_ = 	snop  }
0x5: {  	_ = 	snop  }
0x6: {  	_ = 	snop  }
0x7: {  	_ = 	snop  }
__scs_overlays_trampoline_lowered:
0x8: {  	[smem:$0x3FAA] =	sst s0  }
0x9: {  	[smem:$0x3FAB] =	sst s1  }
0xa: {  	[smem:$0x3FAC] =	sst s2  }
0xb: {  	[smem:$0x3FAD] =	sst s3  }
0xc: {  	[smem:$0x3FAE] =	sst s4  }
0xd: {  	[smem:$0x3FAF] =	sst s5  }
0xe: {  	[smem:$0x3FB0] =	sst s6  }
0xf: {  	[smem:$0x3FB1] =	sst s7  }
0x10: {  	[smem:$0x3FB2] =	sst s8  }
0x11: {  	[smem:$0x3FB3] =	sst s9;
	s0 =	simm.s32 @!p0 $0x0  }
0x12: {  	s1 =	sld [smem:$0x3F99];
	s0 =	simm.s32 @p0 $0x1  }
0x13: {  	[smem:$0x3FB4] =	sst s0;
	s0 =	simm.s32 @!p1 $0x0  }
0x14: {  	s2 =	sld [smem:$0x3F98];
	s0 =	simm.s32 @p1 $0x1  }
0x15: {  	[smem:$0x3FB5] =	sst s0;
	s0 =	simm.s32 @!p2 $0x0  }
0x16: {  	s3 =	sld [smem:$0x3FDB];
	s0 =	simm.s32 @p2 $0x1  }
0x17: {  	s4 =	simm.s32 $0x1BF5;
	[smem:$0x3FB7] =	sst s0  }
0x18: {  	s0 =	sld [smem:$0x3F9A];
	_ =	swait.ge [sflag:s4], $0x0  }
0x19: {  	s7 =	sld [smem:$0x3F9B]  }
0x1a: {  	s8 =	sadd.s32 $0xFFFFE003, lr  }
0x1b: {  	s9 =	sadd.s32 $0xFFFFFEF7, lr;
	s5 =	simm.s32 $0xFFFFFFFF;
	p2 =	slt.u32 s8, $0xFFFFF086  }
0x1c: {  	p1 =	slt.u32 s9, $0xF7A;
	s5 =	simm.s32 @!p2 $0x0  }
0x1d: {  	s5 =	simm.s32 @p1 $0x1;
	p0 =	seq.s32 s7, s2  }
0x1e: {  	s7 =	smul.u32 @!p0 $0xF7A, s2;
	p2 =	seq.s32 @!p0 s5, $0x0  }
0x1f: {  	s9 =	smul.u32 $0xF7A, s1;
	s8 =	simm.s32 @!p0 $0x1BF5;
	p2 =	por !p2, p0  }
0x20: {  	[sflag:s8] =	ssyncset.s32 @!p0 $0xFFFFF086;
	s6 =	sadd.s32 @!p0 s3, s7;
	s7 =	simm.s32 @!p0 $0x108  }
0x21: {  	s3 =	sadd.s32 s3, s9;
	s6 =	sadd.s32 @!p0 $0x88, s6;
	s7 =	simm.s32 @p2 $0x1082  }
0x22: {  	[simem:s7], [sflag:s8] =	dma.local @!p0 [hbm:s6], $0xF7A  }
0x23: {  	s9 =	sor.u32 $0xD0000000, s2;
	s6 =	simm.s32 $0x108;
	_ =	swait.ge @!p0 [sflag:s8], $0x0  }
0x24: {  	s3 =	sadd.s32 $0x88, s3;
	s6 =	simm.s32 @!p1 $0x1082;
	[sflag:s4] =	ssyncset.s32 $0xFFFFF086  }
0x25: {  	[simem:s6], [sflag:s4] =	dma.local [hbm:s3], $0xF7A  }
0x26: {  	[smem:$0x3F9B] =	sst s1;
	(tag) =	ssettag s2;
	_ =	strace s9  }
0x27: {  	s1 =	sld [smem:$0x3FAB]  }
0x28: {  	s2 =	sld [smem:$0x3FAC]  }
0x29: {  	s4 =	sld [smem:$0x3FAE]  }
0x2a: {  	p0 =	seq.s32 s5, $0x0;
	s5 =	sld [smem:$0x3FAF]  }
0x2b: {  	s6 =	sld [smem:$0x3FB0]  }
0x2c: {  	s7 =	sld [smem:$0x3FB1]  }
0x2d: {  	s3 =	simm.s32 $0x108;
	s8 =	sld [smem:$0x3FB2]  }
0x2e: {  	s3 =	simm.s32 @!p0 $0x1082;
	s9 =	sld [smem:$0x3FB3]  }
0x2f: {  	lr =	sadd.s32 s0, s3;
	s0 =	sld [smem:$0x3FAA]  }
0x30: {  	s3 =	sld [smem:$0x3FAD]  }
0x31: {  	[smem:$0x3FB6] =	sst s10  }
0x32: {  	s10 =	sld [smem:$0x3FB4];
	_ =	sdelay $0x3  }
0x33: {  	p0 =	seq.s32 s10, $0x1;
	s10 =	sld [smem:$0x3FB6];
	_ =	sdelay $0x3  }
0x34: {  	[smem:$0x3FB6] =	sst s10  }
0x35: {  	s10 =	sld [smem:$0x3FB5];
	_ =	sdelay $0x3  }
0x36: {  	p1 =	seq.s32 s10, $0x1;
	s10 =	sld [smem:$0x3FB6];
	_ =	sdelay $0x3  }
0x37: {  	[smem:$0x3FB6] =	sst s10  }
0x38: {  	s10 =	sld [smem:$0x3FB7]  }
0x39: {  	_ = 	snop;
	(pc) =	sbr.ind lr, $3  }
0x3a: {  	_ = 	snop  }
0x3b: {  	_ = 	snop  }
0x3c: {  	p2 =	seq.s32 s10, $0x1;
	s10 =	sld [smem:$0x3FB6]  }
0x3d: {  	_ =	shalt  }
0x3e: {  	_ =	shalt  }
0x3f: {  	_ =	shalt  }
0x40: {  	_ =	shalt  }
0x41: {  	_ =	shalt  }
0x42: {  	_ =	shalt  }
0x43: {  	_ =	shalt  }
0x44: {  	_ =	shalt  }
0x45: {  	_ =	shalt  }
0x46: {  	_ =	shalt  }
0x47: {  	_ =	shalt  }
0x48: {  	_ =	shalt  }
0x49: {  	_ =	shalt  }
0x4a: {  	_ =	shalt  }
0x4b: {  	_ =	shalt  }
0x4c: {  	_ =	shalt  }
0x4d: {  	_ =	shalt  }
0x4e: {  	_ =	shalt  }
0x4f: {  	_ =	shalt  }
0x50: {  	_ =	shalt  }
0x51: {  	_ =	shalt  }
0x52: {  	_ =	shalt  }
0x53: {  	_ =	shalt  }
0x54: {  	_ =	shalt  }
0x55: {  	_ =	shalt  }
0x56: {  	_ =	shalt  }
0x57: {  	_ =	shalt  }
0x58: {  	_ =	shalt  }
0x59: {  	_ =	shalt  }
0x5a: {  	_ =	shalt  }
0x5b: {  	_ =	shalt  }
0x5c: {  	_ =	shalt  }
0x5d: {  	_ =	shalt  }
0x5e: {  	_ =	shalt  }
0x5f: {  	_ =	shalt  }
0x60: {  	_ =	shalt  }
0x61: {  	_ =	shalt  }
0x62: {  	_ =	shalt  }
0x63: {  	_ =	shalt  }
0x64: {  	_ =	shalt  }
0x65: {  	_ =	shalt  }
0x66: {  	_ =	shalt  }
0x67: {  	_ =	shalt  }
0x68: {  	_ =	shalt  }
0x69: {  	_ =	shalt  }
0x6a: {  	_ =	shalt  }
0x6b: {  	_ =	shalt  }
0x6c: {  	_ =	shalt  }
0x6d: {  	_ =	shalt  }
0x6e: {  	_ =	shalt  }
0x6f: {  	_ =	shalt  }
0x70: {  	_ =	shalt  }
0x71: {  	_ =	shalt  }
0x72: {  	_ =	shalt  }
0x73: {  	_ =	shalt  }
0x74: {  	_ =	shalt  }
0x75: {  	_ =	shalt  }
0x76: {  	_ =	shalt  }
0x77: {  	_ =	shalt  }
0x78: {  	_ =	shalt  }
0x79: {  	_ =	shalt  }
0x7a: {  	_ =	shalt  }
0x7b: {  	_ =	shalt  }
0x7c: {  	_ =	shalt  }
0x7d: {  	_ =	shalt  }
0x7e: {  	_ =	shalt  }
0x7f: {  	_ =	shalt  }
0x80: {  	_ =	shalt  }
0x81: {  	_ =	shalt  }
0x82: {  	_ =	shalt  }
0x83: {  	_ =	shalt  }
0x84: {  	_ =	shalt  }
0x85: {  	_ =	shalt  }
0x86: {  	_ =	shalt  }
0x87: {  	_ =	shalt  }
.Lfunc_end0:
.L_simem_size_0:
called_computation_lowered:
.L_overlay_start_0:
0x88: {  	s2 =	sld [smem:$0x3FD9]  }
0x89: {  	s3 =	sld [smem:$0x3FFE];
	_ =	sdelay $0x1  }
0x8a: {  	s1 =	srdreg.scid  }
0x8b: {  	s0 =	sand.u32 $0x1, s1  }
0x8c: {  	s17 =	sshll.u32 s0, $0xA;
	s2 =	sadd.s32 s3, s2  }
0x8d: {  	s2 =	sadd.s32 s2, s17  }
0x8e: {  	[smem:$0x3FC2] =	sst s2  }
0x8f: {  	_ = 	snop  }
0x90: {  	s2 =	sld [smem:$0x3FD0];
	(tm) =	ssettm $0x1  }
0x91: {  	s18 =	sld [smem:$0x3FFB];
	_ =	sdelay $0x3  }
0x92: {  	_ =	strace s18  }
0x93: {  	s3 =	sld [smem:$0x3FFC];
	_ =	sdelay $0x3  }
0x94: {  	_ =	strace s3  }
0x95: {  	s3 =	sld [smem:$0x3FFD];
	_ =	sdelay $0x3  }
0x96: {  	_ =	strace s3  }
0x97: {  	_ =	strace $0x8FFFFFFF  }
0x98: {  	s19 =	sld [smem:$0x3FDB];
	_ =	sdelay $0x1  }
0x99: {  	s4 =	simm.s32 $_scs_section_size  }
0x9a: {  	s5 =	simm.s32 $_size__tile_overlayer_lowered;
	s6 =	simm.s32 $_tile_overlayer_lowered  }
0x9b: {  	s22 =	simm.s32 $0x1BFF;
	s21 =	sshll.u32 s6, $0x1;
	s3 =	sadd.s32 s4, s19  }
0x9c: {  	s7 =	simm.s32 $0x0;
	s20 =	sshll.u32 s5, $0x1;
	s5 =	sadd.s32 s21, s3  }
0x9d: {  	[timem:s7], [sflag:s22] =	dma.local [hbm:s5], s20  }
0x9e: {  	_ =	swait.ge [sflag:s22], s20  }
0x9f: {  	s4 =	ssub.s32 $0x0, s20;
	[sflag:s22] =	ssyncset.done $0x0  }
0xa0: {  	[sflag:s22] =	ssyncadd.s32 s4;
	_ =	sdelay $0x1  }
0xa1: {  	s23 =	simm.s32 $0x1B8B  }
0xa2: {  	_ =	swait.ge [sflag:s23], $0x1  }
0xa3: {  	[sflag:s23] =	ssyncset.done $0x0  }
0xa4: {  	s25 =	simm.s32 $0x1B8E;
	s24 =	sld [smem:$0x3FFE];
	[sflag:s23] =	ssyncadd.s32 $0xFFFFFFFF  }
0xa5: {  	s26 =	simm.s32 $execute0_lowered;
	[smem:$0x3FD2] =	sst s25  }
0xa6: {  	s5 =	sshll.u32 s26, $0x1;
	_ =	strace $0x80000046;
	[dreg:$0x1] =	wrdreg $0xFFFFFFFF  }
0xa7: {  	s28 =	simm.s32 $_size_execute0_lowered;
	s3 =	sadd.s32 s3, s5;
	[dreg:$0x0] =	wrdreg $0x0  }
0xa8: {  	s5 =	sshll.u32 s28, $0x1;
	[dreg:$0x2] =	wrdreg s3  }
0xa9: {  	[dreg:$0x3] =	wrdreg s5  }
0xaa: {  	[dreg:$0x4] =	wrdreg $0xC0  }
0xab: {  	_ =	task [dreg:s7], $0x5FFFF  }
0xac: {  	[dreg:$0x1] =	wrdreg $0xFFFFFFFF  }
0xad: {  	[dreg:$0x0] =	wrdreg $0x60  }
0xae: {  	[dreg:$0x2] =	wrdreg s24  }
0xaf: {  	[dreg:$0x3] =	wrdreg s2  }
0xb0: {  	[dreg:$0x4] =	wrdreg $0x0  }
0xb1: {  	[dreg:$0x5] =	wrdreg $0x9  }
0xb2: {  	_ =	task.clear_ibuf [dreg:s7], $0x6FFFF;
	_ =	strace $0x90000046  }
0xb3: {  	s29 =	simm.s32 $0x9;
	_ =	strace $0x80000048  }
0xb4: {  	_ =	swait.ge [sflag:s29], $0x1  }
0xb5: {  	[sflag:s29] =	ssyncadd.s32 $0xFFFFFFFF  }
0xb6: {  	_ =	strace $0x90000048  }
0xb7: {  	_ =	sfence  }
0xb8: {  	s30 =	sld [smem:$0x0];
	_ =	sdelay $0x2  }
0xb9: {  	s31 =	sshll.u32 s1, $0xD;
	s1 =	sshrl.u32 s1, $0x2  }
0xba: {  	s3 =	sand.u32 $0x4000, s31;
	s1 =	sadd.s32 s1, s30  }
0xbb: {  	s0 =	sor.u32 s3, s0;
	s1 =	sshll.u32 s1, $0x11  }
0xbc: {  	s0 =	sor.u32 s1, s0  }
0xbd: {  	s0 =	sadd.s32 $0x8F2B, s0  }
0xbe: {  	[sflag:s0] =	ssyncadd.remote.s32 $0x1  }
0xbf: {  	_ =	sfence.sel $0xFFFF  }
0xc0: {  	[dreg:$0x0] =	wrdreg $0xFFFFFFFF;
	(pc) =	sbr.abs _section_cstart, $3  }
0xc1: {  	[dreg:$0x1] =	wrdreg $0xFFFFFFFF  }
0xc2: {  	_ =	task.clear_ibuf [dreg:s7], $0x2FFFF;
	_ =	strace $0x9FFFFFFF  }
0xc3: {  	(tm) =	ssettm $0x7FFFFFFF  }
tec
execute0_lowered:
.L_overlay_start_1:
0x0: {  	(tag) =	ssettag $0x1  }
0x1: {  	s5 =	rddreg [dreg:$0x0]  }
0x2: {  	s6 =	rddreg [dreg:$0x1]  }
0x3: {  	s1 =	rddreg [dreg:$0x2]  }
0x4: {  	s0 =	rddreg [dreg:$0x3];
	s3 =	simm.s32 $0x0;
	s4 =	srdreg.scid  }
0x5: {  	s2 =	stileid.u32;
	s14 =	simm.s32 $0x5000;
	s15 =	simm.s32 $0x5200  }
0x6: {  	s16 =	simm.s32 $0x1;
	s17 =	simm.s32 $0x100;
	s18 =	simm.s32 $0x5100  }
0x7: {  	s19 =	simm.s32 $0x2;
	s20 =	simm.s32 $0x5300;
	s21 =	simm.s32 $0x3  }
0x8: {  	s22 =	simm.s32 $0x4;
	s23 =	simm.s32 $0x0;
	[smem:$0x7FF] =	sst s3  }
0x9: {  	s7 =	sand.u32 $0x1, s4;
	s8 =	sshll.u32 s2, $0xE;
	s10 =	sadd.s32 $0x1600, s5  }
0xa: {  	s4 =	sadd.s32 $0x15600, s5;
	s12 =	smul.u32 $0x5000, s2;
	s28 =	sshll.u32 s2, $0xB  }
0xb: {  	s29 =	sshll.u32 s2, $0x6;
	_ =	strace $0x80000047;
	s9 =	sshll.u32 s7, $0x12  }
0xc: {  	s11 =	ssub.s32 $0x2, s7;
	s7 =	smul.u32 $0x50000, s7;
	s9 =	sor.u32 s8, s9  }
0xd: {  	s13 =	sadd.s32 s8, s1;
	s26 =	sshrl.u32 s11, $0x1;
	s9 =	sshrl.u32 s9, $0x3  }
0xe: {  	s11 =	ssub.s32 s11, s26;
	s12 =	sadd.s32 s12, s7;
	s9 =	sadd.s32 s9, s5  }
0xf: {  	s5 =	sadd.s32 s6, s28;
	s6 =	sor.u32 $0x1C05, s29;
	s30 =	sor.u32 $0x200, s12  }
0x10: {  	s8 =	smax.u32 s11, $0x1;
	s31 =	sshrl.u32 s12, $0x3;
	s11 =	sshrl.u32 s13, $0x3  }
0x11: {  	s12 =	simm.s32 $0x5;
	s7 =	sadd.s32 $0x15800, s9;
	s9 =	sshrl.u32 s30, $0x3  }
0x12: {  	s13 =	simm.s32 $0x4000;
	s9 =	sadd.s32 s9, s10;
	s10 =	sadd.s32 s31, s10  }
.LBB2_1:
0x13: {  	[spmem:s11], [sflag:s6] =	dma.local [hbm:s5], $0x800  }
0x14: {  	_ =	swait.ge [sflag:s12], $0x800  }
0x15: {  	[sflag:s12] =	ssyncset.done $0x0  }
0x16: {  	[sflag:s12] =	ssyncadd.s32 $0xFFFFF800  }
0x17: {  	[tilespmem:s13], [sflag:$0x5] =	stream.linear.gather [hbm4b:s4+s3], $0x1000, $0x38;
	[tilespmem:$0x5400] =	vst v63  }
0x18: {  	_ =	swait.ge [sflag:s12], $0x1000  }
0x19: {  	[sflag:s12] =	ssyncset.done $0x0  }
0x1a: {  	[sflag:s12] =	ssyncadd.s32 $0xFFFFF000  }
0x1b: {  	s24 =	sadd.s32 $0x0, s10;
	[bflag:$0x0] =	sbarrier.arrive $0xFFFF  }
0x1c: {  	[tilespmem:s14], [sflag:$0x1] =	stream.linear.gather [hbm4b:s24+s3], $0x200, $0x38;
	[tilespmem:$0x5400] =	vst v63  }
0x1d: {  	s31 =	sadd.s32 $0x0, s9  }
0x1e: {  	[tilespmem:s15], [sflag:$0x2] =	stream.linear.gather [hbm4b:s31+s3], $0x200, $0x38;
	[tilespmem:$0x5400] =	vst v63  }
0x1f: {  	_ =	swait.ge [sflag:s16], $0x200  }
0x20: {  	[sflag:s16] =	ssyncset.done $0x0  }
0x21: {  	[sflag:s16] =	ssyncadd.s32 $0xFFFFFE00  }
0x22: {  	[spmem:s1] =	stream.indirect.scatter.add.f32 [tilespmem:s13], [sflag:$0x3], $0x10, s18, s17, $0xb8;
	[tilespmem:$0x5400] =	vst v63  }
0x23: {  	_ =	swait.ge [sflag:s19], $0x200  }
0x24: {  	[sflag:s19] =	ssyncset.done $0x0  }
0x25: {  	[sflag:s19] =	ssyncadd.s32 $0xFFFFFE00  }
0x26: {  	[spmem:s1] =	stream.indirect.scatter.add.f32 [tilespmem:s13], [sflag:$0x4], $0x10, s20, s17, $0xb8;
	[tilespmem:$0x5400] =	vst v63  }
0x27: {  	_ =	swait.ge [sflag:s21], $0x1000  }
0x28: {  	[sflag:s21] =	ssyncset.done $0x0  }
0x29: {  	[sflag:s21] =	ssyncadd.s32 $0xFFFFF000  }
0x2a: {  	_ =	swait.ge [sflag:s22], $0x1000  }
0x2b: {  	s25 =	simm.s32 $0x100;
	s24 =	simm.s32 $0x80;
	[sflag:s22] =	ssyncset.done $0x0  }
.LBB2_2:
0x2c: {  	s26 =	sadd.s32 s24, s10  }
0x2d: {  	[sflag:s22] =	ssyncadd.s32 $0xFFFFF000;
	s28 =	smov.u32 s25;
	s29 =	sadd.s32 $0x80, s25  }
0x2e: {  	[tilespmem:s14], [sflag:$0x1] =	stream.linear.gather [hbm4b:s26+s3], $0x200, $0x38;
	[tilespmem:$0x5400] =	vst v63  }
0x2f: {  	p0 =	sne.s32 s25, $0x980;
	s25 =	sadd.s32 s24, s9;
	s24 =	smov.u32 s28  }
0x30: {  	[tilespmem:s15], [sflag:$0x2] =	stream.linear.gather [hbm4b:s25+s3], $0x200, $0x38;
	[tilespmem:$0x5400] =	vst v63  }
0x31: {  	_ =	swait.ge [sflag:s16], $0x200  }
0x32: {  	[sflag:s16] =	ssyncset.done $0x0  }
0x33: {  	[sflag:s16] =	ssyncadd.s32 $0xFFFFFE00  }
0x34: {  	[spmem:s1] =	stream.indirect.scatter.add.f32 [tilespmem:s13], [sflag:$0x3], $0x10, s18, s17, $0xb8;
	[tilespmem:$0x5400] =	vst v63  }
0x35: {  	_ =	swait.ge [sflag:s19], $0x200  }
0x36: {  	[sflag:s19] =	ssyncset.done $0x0  }
0x37: {  	[sflag:s19] =	ssyncadd.s32 $0xFFFFFE00  }
0x38: {  	[spmem:s1] =	stream.indirect.scatter.add.f32 [tilespmem:s13], [sflag:$0x4], $0x10, s20, s17, $0xb8;
	[tilespmem:$0x5400] =	vst v63  }
.Ltmp0:
0x39: {  	_ =	swait.ge [sflag:s21], $0x1000;
	(pc) =	sbr.rel @p0 .LBB2_2-.Ltmp0, $4  }
0x3a: {  	[sflag:s21] =	ssyncset.done $0x0  }
0x3b: {  	[sflag:s21] =	ssyncadd.s32 $0xFFFFF000  }
0x3c: {  	_ =	swait.ge [sflag:s22], $0x1000  }
0x3d: {  	s25 =	smov.u32 s29;
	[sflag:s22] =	ssyncset.done $0x0  }
0x3e: {  	s25 =	sadd.s32 s24, s10;
	[sflag:s22] =	ssyncadd.s32 $0xFFFFF000  }
0x3f: {  	[tilespmem:s14], [sflag:$0x1] =	stream.linear.gather [hbm4b:s25+s3], $0x200, $0x38;
	[tilespmem:$0x5400] =	vst v63  }
0x40: {  	s31 =	sadd.s32 s24, s9  }
0x41: {  	[tilespmem:s15], [sflag:$0x2] =	stream.linear.gather [hbm4b:s31+s3], $0x200, $0x38;
	[tilespmem:$0x5400] =	vst v63  }
0x42: {  	_ =	swait.ge [sflag:s16], $0x200  }
0x43: {  	[sflag:s16] =	ssyncset.done $0x0  }
0x44: {  	[sflag:s16] =	ssyncadd.s32 $0xFFFFFE00  }
0x45: {  	[spmem:s1] =	stream.indirect.scatter.add.f32 [tilespmem:s13], [sflag:$0x3], $0x10, s18, s17, $0xb8;
	[tilespmem:$0x5400] =	vst v63  }
0x46: {  	_ =	swait.ge [sflag:s19], $0x200  }
0x47: {  	[sflag:s19] =	ssyncset.done $0x0  }
0x48: {  	[sflag:s19] =	ssyncadd.s32 $0xFFFFFE00  }
0x49: {  	[spmem:s1] =	stream.indirect.scatter.add.f32 [tilespmem:s13], [sflag:$0x4], $0x10, s20, s17, $0xb8;
	[tilespmem:$0x5400] =	vst v63  }
0x4a: {  	_ =	swait.ge [sflag:s21], $0x1000  }
0x4b: {  	[sflag:s21] =	ssyncset.done $0x0  }
0x4c: {  	[sflag:s21] =	ssyncadd.s32 $0xFFFFF000  }
0x4d: {  	_ =	swait.ge [sflag:s22], $0x1000  }
0x4e: {  	s23 =	sadd.s32 $0x1, s23;
	[sflag:s22] =	ssyncset.done $0x0  }
0x4f: {  	p0 =	sne.s32 s23, s8;
	[sflag:s22] =	ssyncadd.s32 $0xFFFFF000  }
.Ltmp1:
0x50: {  	[bflag:$0x0] =	sbarrier.arrive $0xFFFF;
	(pc) =	sbr.rel @p0 .LBB2_1-.Ltmp1, $4  }
0x51: {  	[hbm:s7], [sflag:s6] =	dma.local [spmem:s11], $0x800  }
0x52: {  	_ =	swait.ge [sflag:s12], $0x800  }
0x53: {  	[sflag:s12] =	ssyncset.done $0x0  }
0x54: {  	[sflag:s12] =	ssyncadd.s32 $0xFFFFF800  }
0x55: {  	_ =	sfence.sel $0x180000  }
0x56: {  	[bflag:$0x0] =	sbarrier.arrive $0xFFFF  }
0x57: {  	p0 =	sne.s32 s2, $0x0;
	_ =	strace $0x90000047  }
0x58: {  	s0 =	sadd.s32 @!p0 $0x100000, s0;
	[bflag:$0x2] =	sbarrier.arrive $0xFFFF  }
0x59: {  	[sflag:s0] =	ssyncadd.tile.s32 @!p0 $0x1;
	_ =	shalt  }
.Lfunc_end2:
_tile_overlayer_lowered:
.L_overlay_start_2:
0x5a: {  	(tag) =	ssettag $0x2  }
0x5b: {  	s0 =	rddreg [dreg:$0x0];
	s2 =	stileid.u32  }
0x5c: {  	s1 =	rddreg [dreg:$0x1];
	p0 =	sne.s32 s2, $0x0  }
0x5d: {  	s3 =	rddreg [dreg:$0x2];
	[bflag:$0x3] =	sbarrier.arrive $0xFFFF;
	s2 =	simm.s32 @!p0 $0x1C05  }
0x5e: {  	[timem:s3], [sflag:s2] =	dma.local @!p0 [hbm:s0], s1  }
0x5f: {  	s0 =	simm.s32 @!p0 $0x5  }
0x60: {  	_ =	swait.ge @!p0 [sflag:s0], s1  }
0x61: {  	s1 =	ssub.s32 @!p0 $0x0, s1;
	[sflag:s0] =	ssyncset.done @!p0 $0x0  }
0x62: {  	[sflag:s0] =	ssyncadd.s32 @!p0 s1  }
0x63: {  	[bflag:$0x3] =	sbarrier.arrive $0xFFFF  }
0x64: {  	_ =	shalt  }

</sc_bundles>
